<compile_context>
chip_gen: v7x
topology: tpu7x:2x2x1
jax: 0.10.2.dev20260603
libtpu: 0.0.44.dev20260713+nightly
codegen_flags: <defaults>
</compile_context>

<pallas_src>
import functools

import jax
import jax.numpy as jnp
from jax import lax
from jax.experimental import pallas as pl
from jax.experimental.pallas import tpu as pltpu
from jax.experimental.pallas import tpu_sc as plsc

BATCH = 32
SEQ_LEN = 512
PRED_LEN = 336
ENC_IN = 16
D_MODEL = 1024
NUM_EXPERTS = 8
BN = BATCH * ENC_IN
TILE = 64
RPAD = 1536
NT = RPAD // TILE
NASSIGN = 2 * BN

_EXACT = lax.Precision.HIGHEST


def _router_body(xt_ref, wg_ref, ci_ref, sort_src_ref, comb_ref, tokp_ref,
                 te_ref, tv_ref):
    x = xt_ref[...]
    m = jnp.mean(x, axis=1, keepdims=True)
    xc = x - m
    var = jnp.mean(xc * xc, axis=1, keepdims=True)
    std = jnp.sqrt(var + 1e-5)
    ci = xc / std
    ci_ref[...] = ci

    logits = jnp.dot(ci, wg_ref[...], preferred_element_type=jnp.float32)
    io8 = lax.broadcasted_iota(jnp.int32, (BN, NUM_EXPERTS), 1)
    v1 = jnp.max(logits, axis=1, keepdims=True)
    e1 = jnp.min(jnp.where(logits == v1, io8, NUM_EXPERTS), axis=1,
                 keepdims=True)
    l2 = jnp.where(io8 == e1, -1e30, logits)
    v2 = jnp.max(l2, axis=1, keepdims=True)
    e2 = jnp.min(jnp.where(l2 == v2, io8, NUM_EXPERTS), axis=1, keepdims=True)
    g1 = 1.0 / (1.0 + jnp.exp(v2 - v1))
    g2 = 1.0 - g1

    h0 = (io8 == e1).astype(jnp.float32)
    h1 = (io8 == e2).astype(jnp.float32)

    r_io = lax.broadcasted_iota(jnp.int32, (BN, BN), 0)
    c_io = lax.broadcasted_iota(jnp.int32, (BN, BN), 1)
    tstrict = (c_io < r_io).astype(jnp.float32)
    ecs0 = jnp.dot(tstrict, h0, precision=_EXACT,
                   preferred_element_type=jnp.float32)
    ecs1 = jnp.dot(tstrict, h1, precision=_EXACT,
                   preferred_element_type=jnp.float32)
    c0 = jnp.sum(h0, axis=0, keepdims=True)
    cnt = c0 + jnp.sum(h1, axis=0, keepdims=True)
    cnt_i = cnt.astype(jnp.int32)
    pc = ((cnt_i + (TILE - 1)) // TILE) * TILE
    pc_f = pc.astype(jnp.float32)

    e_r = lax.broadcasted_iota(jnp.int32, (NUM_EXPERTS, NUM_EXPERTS), 0)
    e_c = lax.broadcasted_iota(jnp.int32, (NUM_EXPERTS, NUM_EXPERTS), 1)
    pc_col = jnp.sum(pc_f * (e_r == e_c), axis=1, keepdims=True)
    po = jnp.sum(pc_col * (e_r < e_c), axis=0, keepdims=True)

    rank0 = jnp.sum(ecs0 * h0, axis=1, keepdims=True)
    rank1 = (jnp.sum(ecs1 * h1, axis=1, keepdims=True)
             + jnp.sum(c0 * h1, axis=1, keepdims=True))
    d0 = jnp.sum(po * h0, axis=1, keepdims=True) + rank0
    d1 = jnp.sum(po * h1, axis=1, keepdims=True) + rank1
    comb_ref[...] = jnp.concatenate([d0, d1], axis=0).astype(jnp.int32)

    s_io = lax.broadcasted_iota(jnp.int32, (BN, RPAD), 1).astype(jnp.float32)
    tok = lax.broadcasted_iota(jnp.int32, (BN, RPAD), 0).astype(jnp.float32)
    contrib = (jnp.where(d0 == s_io, tok, 0.0)
               + jnp.where(d1 == s_io, tok, 0.0))
    sort_src_ref[...] = jnp.sum(contrib, axis=0,
                                keepdims=True).astype(jnp.int32)

    io4 = lax.broadcasted_iota(jnp.int32, (BN, 4), 1)
    tokp_ref[...] = (g1 * (io4 == 0) + g2 * (io4 == 1)
                     + std * (io4 == 2) + m * (io4 == 3))

    j64 = (lax.broadcasted_iota(jnp.int32, (NUM_EXPERTS, NT), 1)
           * TILE).astype(jnp.float32)
    po_col = jnp.sum(po * (e_r == e_c), axis=1, keepdims=True)
    te = jnp.sum((po_col <= j64).astype(jnp.float32), axis=0,
                 keepdims=True) - 1.0
    te_ref[...] = te.astype(jnp.int32)
    total_pad = jnp.sum(pc_f)
    j1 = (lax.broadcasted_iota(jnp.int32, (1, NT), 1)
          * TILE).astype(jnp.float32)
    tv_ref[...] = (j1 < total_pad).astype(jnp.int32)


def _group_body(te_ref, tv_ref, x_ref, w_ref, b_ref, h_ref):
    j = pl.program_id(0)

    @pl.when(tv_ref[j] == 1)
    def _():
        h_ref[...] = jnp.maximum(
            jnp.dot(x_ref[...], w_ref[0], preferred_element_type=jnp.float32)
            + b_ref[0], 0.0)


def _head_body(y2_ref, tokp_ref, rv_ref, hw_ref, hb_ref, out_ref):
    y2 = y2_ref[...]
    ya = y2[:BN]
    yb = y2[BN:]
    g1 = tokp_ref[:, 0:1]
    g2 = tokp_ref[:, 1:2]
    std = tokp_ref[:, 2:3]
    mn = tokp_ref[:, 3:4]
    y = g1 * ya + g2 * yb
    z = jnp.dot(y, hw_ref[...], preferred_element_type=jnp.float32) \
        + hb_ref[...]
    out_ref[...] = (z * rv_ref[:, 0:1] + rv_ref[:, 1:2]) * std + mn


def _sc_gather(table, idx, n_rows, d):
    mesh = plsc.VectorSubcoreMesh(core_axis_name="c", subcore_axis_name="s")
    nw = mesh.num_cores * mesh.num_subcores
    b_per_w = n_rows // nw

    @functools.partial(
        pl.kernel,
        out_type=jax.ShapeDtypeStruct((n_rows, d), jnp.float32),
        mesh=mesh,
        scratch_types=[
            pltpu.VMEM((b_per_w,), jnp.int32),
            pltpu.VMEM((b_per_w, d), jnp.float32),
            pltpu.SemaphoreType.DMA,
        ],
    )
    def k(table_hbm, idx_hbm, out_hbm, idx_v, rows_v, sem):
        wid = lax.axis_index("s") * mesh.num_cores + lax.axis_index("c")
        base = wid * b_per_w
        pltpu.sync_copy(idx_hbm.at[pl.ds(base, b_per_w)], idx_v)
        pltpu.async_copy(table_hbm.at[idx_v], rows_v, sem).wait()
        pltpu.sync_copy(rows_v, out_hbm.at[pl.ds(base, b_per_w)])

    return k(table, idx)


@jax.jit
def kernel(x_enc, x_mark_enc, x_dec, x_mark_dec, w_gate, expert_W, expert_b,
           head_W, head_b, revin_w, revin_b):
    xt = jnp.transpose(x_enc, (0, 2, 1)).reshape(BN, SEQ_LEN)
    rv = jnp.stack([jnp.tile(revin_w, BATCH), jnp.tile(revin_b, BATCH)],
                   axis=1)

    ci, sort_src, comb, tokp, te, tv = pl.pallas_call(
        _router_body,
        out_shape=[
            jax.ShapeDtypeStruct((BN, SEQ_LEN), jnp.float32),
            jax.ShapeDtypeStruct((1, RPAD), jnp.int32),
            jax.ShapeDtypeStruct((NASSIGN, 1), jnp.int32),
            jax.ShapeDtypeStruct((BN, 4), jnp.float32),
            jax.ShapeDtypeStruct((1, NT), jnp.int32),
            jax.ShapeDtypeStruct((1, NT), jnp.int32),
        ],
    )(xt, w_gate)

    x_sorted = _sc_gather(ci, sort_src.reshape(RPAD), RPAD, SEQ_LEN)

    h_sorted = pl.pallas_call(
        _group_body,
        grid_spec=pltpu.PrefetchScalarGridSpec(
            num_scalar_prefetch=2,
            grid=(NT,),
            in_specs=[
                pl.BlockSpec((TILE, SEQ_LEN), lambda j, te, tv: (j, 0)),
                pl.BlockSpec((1, SEQ_LEN, D_MODEL),
                             lambda j, te, tv: (te[j], 0, 0)),
                pl.BlockSpec((1, 1, D_MODEL), lambda j, te, tv: (te[j], 0, 0)),
            ],
            out_specs=pl.BlockSpec((TILE, D_MODEL), lambda j, te, tv: (j, 0)),
        ),
        out_shape=jax.ShapeDtypeStruct((RPAD, D_MODEL), jnp.float32),
        compiler_params=pltpu.CompilerParams(
            dimension_semantics=("arbitrary",)),
    )(te.reshape(NT), tv.reshape(NT), x_sorted, expert_W,
      expert_b.reshape(NUM_EXPERTS, 1, D_MODEL))

    y2 = _sc_gather(h_sorted, comb.reshape(NASSIGN), NASSIGN, D_MODEL)

    out_tok = pl.pallas_call(
        _head_body,
        out_shape=jax.ShapeDtypeStruct((BN, PRED_LEN), jnp.float32),
    )(y2, tokp, rv, head_W, head_b.reshape(1, PRED_LEN))

    return out_tok.reshape(BATCH, ENC_IN, PRED_LEN).transpose(0, 2, 1)

# --- scband reference (transcript-rebuilt; emitter-appended) ---
"""Pipeline reference for scband-model-81535659147923 (READ-ONLY COPY).

The authoritative reference and input builder live on the scoring server;
editing this copy changes nothing except your own understanding.
"""

import jax, jax.numpy as jnp
import numpy as np

BATCH = 32
SEQ_LEN = 512
PRED_LEN = 336
LABEL_LEN = 48
ENC_IN = 16
D_MODEL = 1024
NUM_EXPERTS = 8
TOP_K = 2


def setup_inputs(seed: int = 0) -> dict:
    key = jax.random.key(seed)
    ks = jax.random.split(key, 12)
    inp = {}
    inp["x_enc"] = jax.random.normal(ks[0], (BATCH, SEQ_LEN, ENC_IN), dtype=jnp.float32)
    inp["x_mark_enc"] = jax.random.normal(ks[1], (BATCH, SEQ_LEN, 4), dtype=jnp.float32)
    inp["x_dec"] = jax.random.normal(ks[2], (BATCH, LABEL_LEN + PRED_LEN, ENC_IN), dtype=jnp.float32)
    inp["x_mark_dec"] = jax.random.normal(ks[3], (BATCH, LABEL_LEN + PRED_LEN, 4), dtype=jnp.float32)
    inp["w_gate"] = jax.random.normal(ks[4], (SEQ_LEN, NUM_EXPERTS), dtype=jnp.float32) * 0.02
    inp["expert_W"] = jax.random.normal(ks[5], (NUM_EXPERTS, SEQ_LEN, D_MODEL), dtype=jnp.float32) * (1.0 / np.sqrt(SEQ_LEN))
    inp["expert_b"] = jnp.zeros((NUM_EXPERTS, D_MODEL), dtype=jnp.float32)
    inp["head_W"] = jax.random.normal(ks[6], (D_MODEL, PRED_LEN), dtype=jnp.float32) * (1.0 / np.sqrt(D_MODEL))
    inp["head_b"] = jnp.zeros((PRED_LEN,), dtype=jnp.float32)
    inp["revin_w"] = jnp.ones((ENC_IN,), dtype=jnp.float32)
    inp["revin_b"] = jnp.zeros((ENC_IN,), dtype=jnp.float32)
    return inp


def _forward(x_enc, w_gate, expert_W, expert_b, head_W, head_b, revin_w, revin_b):
    b, L, n = x_enc.shape
    # instance norm over time (means detached as in torch .detach())
    means = jax.lax.stop_gradient(jnp.mean(x_enc, axis=1, keepdims=True))
    x = x_enc - means
    stdev = jnp.sqrt(jnp.var(x, axis=1, keepdims=True) + 1e-5)
    x = x / stdev
    # channel-independent: 'b l n -> (b n) l 1' (squeeze last dim for matmuls)
    ci = jnp.transpose(x, (0, 2, 1)).reshape(b * n, L)
    # noisy top-k gating (eval mode: clean logits)
    logits = ci @ w_gate  # [BN, E]
    top_vals, top_idx = jax.lax.top_k(logits, TOP_K)
    top_gates = jax.nn.softmax(top_vals, axis=-1)
    gates = jnp.zeros_like(logits)
    gates = gates.at[jnp.arange(b * n)[:, None], top_idx].set(top_gates)
    # linear experts: seq_len -> d_model with ReLU; dense compute, sparse combine
    eo = jax.nn.relu(jnp.einsum('bl,eld->ebd', ci, expert_W) + expert_b[:, None, :])
    y = jnp.einsum('be,ebd->bd', gates, eo)  # [BN, d_model]
    # '(b n) l 1 -> b l n' then 'b d n -> b n d' == reshape(b, n, d)
    temporal = y.reshape(b, n, D_MODEL)
    out = temporal @ head_W + head_b  # [b, n, pred_len]
    out = jnp.transpose(out, (0, 2, 1))  # [b, pred_len, n]
    # RevIN denorm (affine part; stats handled by outer means/stdev)
    out = out * revin_w + revin_b
    out = out * stdev[:, 0, :][:, None, :]
    out = out + means[:, 0, :][:, None, :]
    return out


def reference(x_enc, x_mark_enc, x_dec, x_mark_dec, w_gate, expert_W, expert_b, head_W, head_b, revin_w, revin_b):
    return _forward(x_enc, w_gate, expert_W, expert_b, head_W, head_b, revin_w, revin_b)

if __name__ == "__main__":
    import jax
    _d = setup_inputs()
    print(jax.jit(kernel)(*tuple(_d.values())))

</pallas_src>

<mosaic_0001>
#map = affine_map<(d0, d1) -> (0, 0)>
#map1 = affine_map<(d0, d1) -> (0)>
module attributes {stable_mosaic.version = 14 : i64} {
  func.func @k(%arg0: i32, %arg1: i32, %arg2: memref<512x512xf32, #tpu.memory_space<hbm>>, %arg3: memref<1536xi32, #tpu.memory_space<hbm>>, %arg4: memref<1536x512xf32, #tpu.memory_space<hbm>>, %arg5: memref<48xi32, #tpu.memory_space<vmem>>, %arg6: memref<48x512xf32, #tpu.memory_space<vmem>>, %arg7: memref<!tpu.dma_semaphore, #tpu.memory_space<semaphore_mem>>) attributes {dimension_semantics = [#tpu.dimension_semantics<core_parallel>, #tpu.dimension_semantics<subcore_parallel>], iteration_bounds = array<i64: 2, 16>, scalar_prefetch = 0 : i64, scratch_operands = 3 : i64, tpu.core_type = #tpu.core_type<sc_vector_subcore>, window_params = [{transform_indices = #map}, {transform_indices = #map1}, {transform_indices = #map}]} {
    %mul3A = arith.constant 2 : i32
    %mul3A_0 = arith.muli %arg1, %mul3A : i32
    %add3A = arith.addi %mul3A_0, %arg0 : i32
    %mul3A_1 = arith.constant 48 : i32
    %mul3A_2 = arith.muli %add3A, %mul3A_1 : i32
    "tpu.region"() ({
      %run_scoped3A = tpu.sem_alloc : memref<!tpu.dma_semaphore, #tpu.memory_space<semaphore_mem>>
      %dma_start3A_7 = tpu.memref_slice %arg3[%mul3A_2] : memref<1536xi32, #tpu.memory_space<hbm>> -> memref<48xi32, #tpu.memory_space<hbm>>
      %dma_start3A_8 = tpu.memref_slice %arg3[%mul3A_2] : memref<1536xi32, #tpu.memory_space<hbm>> -> memref<48xi32, #tpu.memory_space<hbm>>
      tpu.enqueue_dma source(%dma_start3A_8 : memref<48xi32, #tpu.memory_space<hbm>>) target(%arg5 : memref<48xi32, #tpu.memory_space<vmem>>) target_semaphore(%run_scoped3A : memref<!tpu.dma_semaphore, #tpu.memory_space<semaphore_mem>>)
      %dma_wait3A_9 = tpu.memref_slice %arg3[%mul3A_2] : memref<1536xi32, #tpu.memory_space<hbm>> -> memref<48xi32, #tpu.memory_space<hbm>>
      %dma_wait3A_10 = tpu.memref_slice %arg3[%mul3A_2] : memref<1536xi32, #tpu.memory_space<hbm>> -> memref<48xi32, #tpu.memory_space<hbm>>
      tpu.wait_dma2 semaphore(%run_scoped3A : memref<!tpu.dma_semaphore, #tpu.memory_space<semaphore_mem>>) src(%dma_wait3A_10 : memref<48xi32, #tpu.memory_space<hbm>>) dst(%arg5 : memref<48xi32, #tpu.memory_space<vmem>>)
      tpu.yield
    }) : () -> ()
    %dma_start3A = arith.constant 0 : i32
    %dma_start3A_3 = arith.constant 0 : i32
    %dma_start3A_4 = tpu.memref_slice %arg2[%dma_start3A, %dma_start3A_3] : memref<512x512xf32, #tpu.memory_space<hbm>> -> memref<512x512xf32, #tpu.memory_space<hbm>>
    tpu.enqueue_indirect_dma source(%dma_start3A_4 : memref<512x512xf32, #tpu.memory_space<hbm>>) target(%arg6 : memref<48x512xf32, #tpu.memory_space<vmem>>) offsets(%arg5 : memref<48xi32, #tpu.memory_space<vmem>>) semaphore(%arg7 : memref<!tpu.dma_semaphore, #tpu.memory_space<semaphore_mem>>)
    %dma_wait3A = arith.constant 0 : i32
    %dma_wait3A_5 = arith.constant 0 : i32
    %dma_wait3A_6 = tpu.memref_slice %arg2[%dma_wait3A, %dma_wait3A_5] : memref<512x512xf32, #tpu.memory_space<hbm>> -> memref<512x512xf32, #tpu.memory_space<hbm>>
    tpu.wait_indirect_dma semaphore(%arg7 : memref<!tpu.dma_semaphore, #tpu.memory_space<semaphore_mem>>) src(%dma_wait3A_6 : memref<512x512xf32, #tpu.memory_space<hbm>>) dst(%arg6 : memref<48x512xf32, #tpu.memory_space<vmem>>)
    "tpu.region"() ({
      %run_scoped3A = tpu.sem_alloc : memref<!tpu.dma_semaphore, #tpu.memory_space<semaphore_mem>>
      %dma_start3A_7 = arith.constant 0 : i32
      %dma_start3A_8 = tpu.memref_slice %arg4[%mul3A_2, %dma_start3A_7] : memref<1536x512xf32, #tpu.memory_space<hbm>> -> memref<48x512xf32, #tpu.memory_space<hbm>>
      %dma_start3A_9 = arith.constant 0 : i32
      %dma_start3A_10 = tpu.memref_slice %arg4[%mul3A_2, %dma_start3A_9] : memref<1536x512xf32, #tpu.memory_space<hbm>> -> memref<48x512xf32, #tpu.memory_space<hbm>>
      tpu.enqueue_dma source(%arg6 : memref<48x512xf32, #tpu.memory_space<vmem>>) target(%dma_start3A_10 : memref<48x512xf32, #tpu.memory_space<hbm>>) target_semaphore(%run_scoped3A : memref<!tpu.dma_semaphore, #tpu.memory_space<semaphore_mem>>)
      %dma_wait3A_11 = arith.constant 0 : i32
      %dma_wait3A_12 = tpu.memref_slice %arg4[%mul3A_2, %dma_wait3A_11] : memref<1536x512xf32, #tpu.memory_space<hbm>> -> memref<48x512xf32, #tpu.memory_space<hbm>>
      %dma_wait3A_13 = arith.constant 0 : i32
      %dma_wait3A_14 = tpu.memref_slice %arg4[%mul3A_2, %dma_wait3A_13] : memref<1536x512xf32, #tpu.memory_space<hbm>> -> memref<48x512xf32, #tpu.memory_space<hbm>>
      tpu.wait_dma2 semaphore(%run_scoped3A : memref<!tpu.dma_semaphore, #tpu.memory_space<semaphore_mem>>) src(%arg6 : memref<48x512xf32, #tpu.memory_space<vmem>>) dst(%dma_wait3A_14 : memref<48x512xf32, #tpu.memory_space<hbm>>)
      tpu.yield
    }) : () -> ()
    return
  }
}

#map = affine_map<(d0, d1) -> (0, 0)>
#map1 = affine_map<(d0, d1) -> (0)>
module attributes {stable_mosaic.version = 14 : i64} {
  func.func @k(%arg0: i32, %arg1: i32, %arg2: memref<1536x1024xf32, #tpu.memory_space<hbm>>, %arg3: memref<1024xi32, #tpu.memory_space<hbm>>, %arg4: memref<1024x1024xf32, #tpu.memory_space<hbm>>, %arg5: memref<32xi32, #tpu.memory_space<vmem>>, %arg6: memref<32x1024xf32, #tpu.memory_space<vmem>>, %arg7: memref<!tpu.dma_semaphore, #tpu.memory_space<semaphore_mem>>) attributes {dimension_semantics = [#tpu.dimension_semantics<core_parallel>, #tpu.dimension_semantics<subcore_parallel>], iteration_bounds = array<i64: 2, 16>, scalar_prefetch = 0 : i64, scratch_operands = 3 : i64, tpu.core_type = #tpu.core_type<sc_vector_subcore>, window_params = [{transform_indices = #map}, {transform_indices = #map1}, {transform_indices = #map}]} {
    %mul3A = arith.constant 2 : i32
    %mul3A_0 = arith.muli %arg1, %mul3A : i32
    %add3A = arith.addi %mul3A_0, %arg0 : i32
    %mul3A_1 = arith.constant 32 : i32
    %mul3A_2 = arith.muli %add3A, %mul3A_1 : i32
    "tpu.region"() ({
      %run_scoped3A = tpu.sem_alloc : memref<!tpu.dma_semaphore, #tpu.memory_space<semaphore_mem>>
      %dma_start3A_7 = tpu.memref_slice %arg3[%mul3A_2] : memref<1024xi32, #tpu.memory_space<hbm>> -> memref<32xi32, #tpu.memory_space<hbm>>
      %dma_start3A_8 = tpu.memref_slice %arg3[%mul3A_2] : memref<1024xi32, #tpu.memory_space<hbm>> -> memref<32xi32, #tpu.memory_space<hbm>>
      tpu.enqueue_dma source(%dma_start3A_8 : memref<32xi32, #tpu.memory_space<hbm>>) target(%arg5 : memref<32xi32, #tpu.memory_space<vmem>>) target_semaphore(%run_scoped3A : memref<!tpu.dma_semaphore, #tpu.memory_space<semaphore_mem>>)
      %dma_wait3A_9 = tpu.memref_slice %arg3[%mul3A_2] : memref<1024xi32, #tpu.memory_space<hbm>> -> memref<32xi32, #tpu.memory_space<hbm>>
      %dma_wait3A_10 = tpu.memref_slice %arg3[%mul3A_2] : memref<1024xi32, #tpu.memory_space<hbm>> -> memref<32xi32, #tpu.memory_space<hbm>>
      tpu.wait_dma2 semaphore(%run_scoped3A : memref<!tpu.dma_semaphore, #tpu.memory_space<semaphore_mem>>) src(%dma_wait3A_10 : memref<32xi32, #tpu.memory_space<hbm>>) dst(%arg5 : memref<32xi32, #tpu.memory_space<vmem>>)
      tpu.yield
    }) : () -> ()
    %dma_start3A = arith.constant 0 : i32
    %dma_start3A_3 = arith.constant 0 : i32
    %dma_start3A_4 = tpu.memref_slice %arg2[%dma_start3A, %dma_start3A_3] : memref<1536x1024xf32, #tpu.memory_space<hbm>> -> memref<1536x1024xf32, #tpu.memory_space<hbm>>
    tpu.enqueue_indirect_dma source(%dma_start3A_4 : memref<1536x1024xf32, #tpu.memory_space<hbm>>) target(%arg6 : memref<32x1024xf32, #tpu.memory_space<vmem>>) offsets(%arg5 : memref<32xi32, #tpu.memory_space<vmem>>) semaphore(%arg7 : memref<!tpu.dma_semaphore, #tpu.memory_space<semaphore_mem>>)
    %dma_wait3A = arith.constant 0 : i32
    %dma_wait3A_5 = arith.constant 0 : i32
    %dma_wait3A_6 = tpu.memref_slice %arg2[%dma_wait3A, %dma_wait3A_5] : memref<1536x1024xf32, #tpu.memory_space<hbm>> -> memref<1536x1024xf32, #tpu.memory_space<hbm>>
    tpu.wait_indirect_dma semaphore(%arg7 : memref<!tpu.dma_semaphore, #tpu.memory_space<semaphore_mem>>) src(%dma_wait3A_6 : memref<1536x1024xf32, #tpu.memory_space<hbm>>) dst(%arg6 : memref<32x1024xf32, #tpu.memory_space<vmem>>)
    "tpu.region"() ({
      %run_scoped3A = tpu.sem_alloc : memref<!tpu.dma_semaphore, #tpu.memory_space<semaphore_mem>>
      %dma_start3A_7 = arith.constant 0 : i32
      %dma_start3A_8 = tpu.memref_slice %arg4[%mul3A_2, %dma_start3A_7] : memref<1024x1024xf32, #tpu.memory_space<hbm>> -> memref<32x1024xf32, #tpu.memory_space<hbm>>
      %dma_start3A_9 = arith.constant 0 : i32
      %dma_start3A_10 = tpu.memref_slice %arg4[%mul3A_2, %dma_start3A_9] : memref<1024x1024xf32, #tpu.memory_space<hbm>> -> memref<32x1024xf32, #tpu.memory_space<hbm>>
      tpu.enqueue_dma source(%arg6 : memref<32x1024xf32, #tpu.memory_space<vmem>>) target(%dma_start3A_10 : memref<32x1024xf32, #tpu.memory_space<hbm>>) target_semaphore(%run_scoped3A : memref<!tpu.dma_semaphore, #tpu.memory_space<semaphore_mem>>)
      %dma_wait3A_11 = arith.constant 0 : i32
      %dma_wait3A_12 = tpu.memref_slice %arg4[%mul3A_2, %dma_wait3A_11] : memref<1024x1024xf32, #tpu.memory_space<hbm>> -> memref<32x1024xf32, #tpu.memory_space<hbm>>
      %dma_wait3A_13 = arith.constant 0 : i32
      %dma_wait3A_14 = tpu.memref_slice %arg4[%mul3A_2, %dma_wait3A_13] : memref<1024x1024xf32, #tpu.memory_space<hbm>> -> memref<32x1024xf32, #tpu.memory_space<hbm>>
      tpu.wait_dma2 semaphore(%run_scoped3A : memref<!tpu.dma_semaphore, #tpu.memory_space<semaphore_mem>>) src(%arg6 : memref<32x1024xf32, #tpu.memory_space<vmem>>) dst(%dma_wait3A_14 : memref<32x1024xf32, #tpu.memory_space<hbm>>)
      tpu.yield
    }) : () -> ()
    return
  }
}

module attributes {stable_mosaic.version = 14 : i64} {
  func.func @_head_body(%arg0: memref<1024x1024xf32, #tpu.memory_space<vmem>>, %arg1: memref<512x4xf32, #tpu.memory_space<vmem>>, %arg2: memref<512x2xf32, #tpu.memory_space<vmem>>, %arg3: memref<1024x336xf32, #tpu.memory_space<vmem>>, %arg4: memref<1x336xf32, #tpu.memory_space<vmem>>, %arg5: memref<512x336xf32, #tpu.memory_space<vmem>>) attributes {dimension_semantics = [], scalar_prefetch = 0 : i64, scratch_operands = 0 : i64, tpu.core_type = #tpu.core_type<tc>} {
    %get3A = arith.constant 0 : index
    %get3A_0 = arith.constant 0 : index
    %get3A_1 = vector.load %arg0[%get3A, %get3A_0] : memref<1024x1024xf32, #tpu.memory_space<vmem>>, vector<1024x1024xf32>
    %slice3A = vector.extract_strided_slice %get3A_1 {offsets = [0, 0], sizes = [512, 1024], strides = [1, 1]} : vector<1024x1024xf32> to vector<512x1024xf32>
    %slice3A_2 = vector.extract_strided_slice %get3A_1 {offsets = [512, 0], sizes = [512, 1024], strides = [1, 1]} : vector<1024x1024xf32> to vector<512x1024xf32>
    %get3A_3 = arith.constant 0 : index
    %get3A_4 = arith.constant 0 : index
    %get3A_5 = vector.load %arg1[%get3A_3, %get3A_4] : memref<512x4xf32, #tpu.memory_space<vmem>>, vector<512x1xf32>
    %get3A_6 = arith.constant 0 : index
    %get3A_7 = arith.constant 1 : index
    %get3A_8 = vector.load %arg1[%get3A_6, %get3A_7] : memref<512x4xf32, #tpu.memory_space<vmem>>, vector<512x1xf32>
    %get3A_9 = arith.constant 0 : index
    %get3A_10 = arith.constant 2 : index
    %get3A_11 = vector.load %arg1[%get3A_9, %get3A_10] : memref<512x4xf32, #tpu.memory_space<vmem>>, vector<512x1xf32>
    %get3A_12 = arith.constant 0 : index
    %get3A_13 = arith.constant 3 : index
    %get3A_14 = vector.load %arg1[%get3A_12, %get3A_13] : memref<512x4xf32, #tpu.memory_space<vmem>>, vector<512x1xf32>
    %mul3A = vector.broadcast %get3A_5 : vector<512x1xf32> to vector<512x1024xf32>
    %mul3A_15 = arith.mulf %mul3A, %slice3A : vector<512x1024xf32>
    %mul3A_16 = vector.broadcast %get3A_8 : vector<512x1xf32> to vector<512x1024xf32>
    %mul3A_17 = arith.mulf %mul3A_16, %slice3A_2 : vector<512x1024xf32>
    %add3A = arith.addf %mul3A_15, %mul3A_17 : vector<512x1024xf32>
    %get3A_18 = arith.constant 0 : index
    %get3A_19 = arith.constant 0 : index
    %get3A_20 = vector.load %arg3[%get3A_18, %get3A_19] : memref<1024x336xf32, #tpu.memory_space<vmem>>, vector<1024x336xf32>
    %dot_general3A = arith.constant dense<0.000000e+00> : vector<512x336xf32>
    %dot_general3A_21 = tpu.matmul %add3A, %get3A_20, %dot_general3A {dimension_numbers = #tpu.dot_dimension_numbers<[1], [0], [0], [1], [0, 0, 1, 1], [], []>, transpose_lhs_hint = false} : vector<512x1024xf32>, vector<1024x336xf32>, vector<512x336xf32> -> vector<512x336xf32>
    %get3A_22 = arith.constant 0 : index
    %get3A_23 = arith.constant 0 : index
    %get3A_24 = vector.load %arg4[%get3A_22, %get3A_23] : memref<1x336xf32, #tpu.memory_space<vmem>>, vector<1x336xf32>
    %add3A_25 = vector.broadcast %get3A_24 : vector<1x336xf32> to vector<512x336xf32>
    %add3A_26 = arith.addf %dot_general3A_21, %add3A_25 : vector<512x336xf32>
    %get3A_27 = arith.constant 0 : index
    %get3A_28 = arith.constant 0 : index
    %get3A_29 = vector.load %arg2[%get3A_27, %get3A_28] : memref<512x2xf32, #tpu.memory_space<vmem>>, vector<512x1xf32>
    %mul3A_30 = vector.broadcast %get3A_29 : vector<512x1xf32> to vector<512x336xf32>
    %mul3A_31 = arith.mulf %add3A_26, %mul3A_30 : vector<512x336xf32>
    %get3A_32 = arith.constant 0 : index
    %get3A_33 = arith.constant 1 : index
    %get3A_34 = vector.load %arg2[%get3A_32, %get3A_33] : memref<512x2xf32, #tpu.memory_space<vmem>>, vector<512x1xf32>
    %add3A_35 = vector.broadcast %get3A_34 : vector<512x1xf32> to vector<512x336xf32>
    %add3A_36 = arith.addf %mul3A_31, %add3A_35 : vector<512x336xf32>
    %mul3A_37 = vector.broadcast %get3A_11 : vector<512x1xf32> to vector<512x336xf32>
    %mul3A_38 = arith.mulf %add3A_36, %mul3A_37 : vector<512x336xf32>
    %add3A_39 = vector.broadcast %get3A_14 : vector<512x1xf32> to vector<512x336xf32>
    %add3A_40 = arith.addf %mul3A_38, %add3A_39 : vector<512x336xf32>
    %swap3A = arith.constant 0 : index
    %swap3A_41 = arith.constant 0 : index
    %swap3A_42 = vector.load %arg5[%swap3A, %swap3A_41] : memref<512x336xf32, #tpu.memory_space<vmem>>, vector<512x336xf32>
    tpu.vector_store %arg5[%swap3A, %swap3A_41], %add3A_40 {strides = array<i32>} : memref<512x336xf32, #tpu.memory_space<vmem>>, vector<512x336xf32>,
    return
  }
}

module attributes {stable_mosaic.version = 14 : i64} {
  func.func @_router_body(%arg0: memref<512x512xf32, #tpu.memory_space<vmem>>, %arg1: memref<512x8xf32, #tpu.memory_space<vmem>>, %arg2: memref<512x512xf32, #tpu.memory_space<vmem>>, %arg3: memref<1x1536xi32, #tpu.memory_space<vmem>>, %arg4: memref<1024x1xi32, #tpu.memory_space<vmem>>, %arg5: memref<512x4xf32, #tpu.memory_space<vmem>>, %arg6: memref<1x24xi32, #tpu.memory_space<vmem>>, %arg7: memref<1x24xi32, #tpu.memory_space<vmem>>) attributes {dimension_semantics = [], scalar_prefetch = 0 : i64, scratch_operands = 0 : i64, tpu.core_type = #tpu.core_type<tc>} {
    %get3A = arith.constant 0 : index
    %get3A_0 = arith.constant 0 : index
    %get3A_1 = vector.load %arg0[%get3A, %get3A_0] : memref<512x512xf32, #tpu.memory_space<vmem>>, vector<512x512xf32>
    %reduce_sum3A = arith.constant dense<0.000000e+00> : vector<512xf32>
    %reduce_sum3A_2 = vector.multi_reduction <add>, %get3A_1, %reduce_sum3A [1] : vector<512x512xf32> to vector<512xf32>
    %broadcast_in_dim3A = vector.shape_cast %reduce_sum3A_2 : vector<512xf32> to vector<512x1xf32>
    %div3A = arith.constant 5.120000e+02 : f32
    %div3A_3 = vector.broadcast %div3A : f32 to vector<512x1xf32>
    %div3A_4 = arith.divf %broadcast_in_dim3A, %div3A_3 : vector<512x1xf32>
    %sub3A = vector.broadcast %div3A_4 : vector<512x1xf32> to vector<512x512xf32>
    %sub3A_5 = arith.subf %get3A_1, %sub3A : vector<512x512xf32>
    %mul3A = arith.mulf %sub3A_5, %sub3A_5 : vector<512x512xf32>
    %reduce_sum3A_6 = arith.constant dense<0.000000e+00> : vector<512xf32>
    %reduce_sum3A_7 = vector.multi_reduction <add>, %mul3A, %reduce_sum3A_6 [1] : vector<512x512xf32> to vector<512xf32>
    %broadcast_in_dim3A_8 = vector.shape_cast %reduce_sum3A_7 : vector<512xf32> to vector<512x1xf32>
    %div3A_9 = arith.constant 5.120000e+02 : f32
    %div3A_10 = vector.broadcast %div3A_9 : f32 to vector<512x1xf32>
    %div3A_11 = arith.divf %broadcast_in_dim3A_8, %div3A_10 : vector<512x1xf32>
    %add3A = arith.constant 9.99999974E-6 : f32
    %add3A_12 = vector.broadcast %add3A : f32 to vector<512x1xf32>
    %add3A_13 = arith.addf %div3A_11, %add3A_12 : vector<512x1xf32>
    %sqrt3A = math.sqrt %add3A_13 : vector<512x1xf32>
    %div3A_14 = vector.broadcast %sqrt3A : vector<512x1xf32> to vector<512x512xf32>
    %div3A_15 = arith.divf %sub3A_5, %div3A_14 : vector<512x512xf32>
    %swap3A = arith.constant 0 : index
    %swap3A_16 = arith.constant 0 : index
    %swap3A_17 = vector.load %arg2[%swap3A, %swap3A_16] : memref<512x512xf32, #tpu.memory_space<vmem>>, vector<512x512xf32>
    tpu.vector_store %arg2[%swap3A, %swap3A_16], %div3A_15 {strides = array<i32>} : memref<512x512xf32, #tpu.memory_space<vmem>>, vector<512x512xf32>,
    %get3A_18 = arith.constant 0 : index
    %get3A_19 = arith.constant 0 : index
    %get3A_20 = vector.load %arg1[%get3A_18, %get3A_19] : memref<512x8xf32, #tpu.memory_space<vmem>>, vector<512x8xf32>
    %dot_general3A = arith.constant dense<0.000000e+00> : vector<512x8xf32>
    %dot_general3A_21 = tpu.matmul %div3A_15, %get3A_20, %dot_general3A {dimension_numbers = #tpu.dot_dimension_numbers<[1], [0], [0], [1], [0, 0, 1, 1], [], []>, transpose_lhs_hint = false} : vector<512x512xf32>, vector<512x8xf32>, vector<512x8xf32> -> vector<512x8xf32>
    %iota3A = tpu.iota {dimensions = array<i32: 1>} : vector<512x8xi32>
    %reduce_max3A = arith.constant dense<0xFF800000> : vector<512xf32>
    %reduce_max3A_22 = vector.multi_reduction <maximumf>, %dot_general3A_21, %reduce_max3A [1] : vector<512x8xf32> to vector<512xf32>
    %broadcast_in_dim3A_23 = vector.shape_cast %reduce_max3A_22 : vector<512xf32> to vector<512x1xf32>
    %eq3A = vector.broadcast %broadcast_in_dim3A_23 : vector<512x1xf32> to vector<512x8xf32>
    %eq3A_24 = arith.cmpf oeq, %dot_general3A_21, %eq3A : vector<512x8xf32>
    %jit3A = arith.constant 8 : i32
    %broadcast_in_dim3A_25 = vector.broadcast %jit3A : i32 to vector<512x8xi32>
    %select_n3A = arith.select %eq3A_24, %iota3A, %broadcast_in_dim3A_25 : vector<512x8xi1>, vector<512x8xi32>
    %reduce_min3A = arith.constant dense<2147483647> : vector<512xi32>
    %reduce_min3A_26 = vector.multi_reduction <minsi>, %select_n3A, %reduce_min3A [1] : vector<512x8xi32> to vector<512xi32>
    %broadcast_in_dim3A_27 = vector.shape_cast %reduce_min3A_26 : vector<512xi32> to vector<512x1xi32>
    %eq3A_28 = vector.broadcast %broadcast_in_dim3A_27 : vector<512x1xi32> to vector<512x8xi32>
    %eq3A_29 = arith.cmpi eq, %iota3A, %eq3A_28 : vector<512x8xi32>
    %jit3A_30 = arith.constant -1.000000e+30 : f32
    %broadcast_in_dim3A_31 = vector.broadcast %jit3A_30 : f32 to vector<512x8xf32>
    %select_n3A_32 = arith.select %eq3A_29, %broadcast_in_dim3A_31, %dot_general3A_21 : vector<512x8xi1>, vector<512x8xf32>
    %reduce_max3A_33 = arith.constant dense<0xFF800000> : vector<512xf32>
    %reduce_max3A_34 = vector.multi_reduction <maximumf>, %select_n3A_32, %reduce_max3A_33 [1] : vector<512x8xf32> to vector<512xf32>
    %broadcast_in_dim3A_35 = vector.shape_cast %reduce_max3A_34 : vector<512xf32> to vector<512x1xf32>
    %eq3A_36 = vector.broadcast %broadcast_in_dim3A_35 : vector<512x1xf32> to vector<512x8xf32>
    %eq3A_37 = arith.cmpf oeq, %select_n3A_32, %eq3A_36 : vector<512x8xf32>
    %jit3A_38 = arith.constant 8 : i32
    %broadcast_in_dim3A_39 = vector.broadcast %jit3A_38 : i32 to vector<512x8xi32>
    %select_n3A_40 = arith.select %eq3A_37, %iota3A, %broadcast_in_dim3A_39 : vector<512x8xi1>, vector<512x8xi32>
    %reduce_min3A_41 = arith.constant dense<2147483647> : vector<512xi32>
    %reduce_min3A_42 = vector.multi_reduction <minsi>, %select_n3A_40, %reduce_min3A_41 [1] : vector<512x8xi32> to vector<512xi32>
    %broadcast_in_dim3A_43 = vector.shape_cast %reduce_min3A_42 : vector<512xi32> to vector<512x1xi32>
    %sub3A_44 = arith.subf %broadcast_in_dim3A_35, %broadcast_in_dim3A_23 : vector<512x1xf32>
    %exp3A = math.exp %sub3A_44 : vector<512x1xf32>
    %add3A_45 = arith.constant 1.000000e+00 : f32
    %add3A_46 = vector.broadcast %add3A_45 : f32 to vector<512x1xf32>
    %add3A_47 = arith.addf %add3A_46, %exp3A : vector<512x1xf32>
    %div3A_48 = arith.constant 1.000000e+00 : f32
    %div3A_49 = vector.broadcast %div3A_48 : f32 to vector<512x1xf32>
    %div3A_50 = arith.divf %div3A_49, %add3A_47 : vector<512x1xf32>
    %sub3A_51 = arith.constant 1.000000e+00 : f32
    %sub3A_52 = vector.broadcast %sub3A_51 : f32 to vector<512x1xf32>
    %sub3A_53 = arith.subf %sub3A_52, %div3A_50 : vector<512x1xf32>
    %eq3A_54 = vector.broadcast %broadcast_in_dim3A_27 : vector<512x1xi32> to vector<512x8xi32>
    %eq3A_55 = arith.cmpi eq, %iota3A, %eq3A_54 : vector<512x8xi32>
    %convert_element_type3A = arith.extui %eq3A_55 : vector<512x8xi1> to vector<512x8xi32>
    %convert_element_type3A_56 = arith.sitofp %convert_element_type3A : vector<512x8xi32> to vector<512x8xf32>
    %eq3A_57 = vector.broadcast %broadcast_in_dim3A_43 : vector<512x1xi32> to vector<512x8xi32>
    %eq3A_58 = arith.cmpi eq, %iota3A, %eq3A_57 : vector<512x8xi32>
    %convert_element_type3A_59 = arith.extui %eq3A_58 : vector<512x8xi1> to vector<512x8xi32>
    %convert_element_type3A_60 = arith.sitofp %convert_element_type3A_59 : vector<512x8xi32> to vector<512x8xf32>
    %iota3A_61 = tpu.iota {dimensions = array<i32: 0>} : vector<512x512xi32>
    %iota3A_62 = tpu.iota {dimensions = array<i32: 1>} : vector<512x512xi32>
    %lt3A = arith.cmpi slt, %iota3A_62, %iota3A_61 : vector<512x512xi32>
    %convert_element_type3A_63 = arith.extui %lt3A : vector<512x512xi1> to vector<512x512xi32>
    %convert_element_type3A_64 = arith.sitofp %convert_element_type3A_63 : vector<512x512xi32> to vector<512x512xf32>
    %dot_general3A_65 = arith.constant dense<0.000000e+00> : vector<512x8xf32>
    %dot_general3A_66 = tpu.matmul %convert_element_type3A_64, %convert_element_type3A_56, %dot_general3A_65 {dimension_numbers = #tpu.dot_dimension_numbers<[1], [0], [0], [1], [0, 0, 1, 1], [], []>, precision = #tpu.contract_precision<fp32>, transpose_lhs_hint = false} : vector<512x512xf32>, vector<512x8xf32>, vector<512x8xf32> -> vector<512x8xf32>
    %dot_general3A_67 = arith.constant dense<0.000000e+00> : vector<512x8xf32>
    %dot_general3A_68 = tpu.matmul %convert_element_type3A_64, %convert_element_type3A_60, %dot_general3A_67 {dimension_numbers = #tpu.dot_dimension_numbers<[1], [0], [0], [1], [0, 0, 1, 1], [], []>, precision = #tpu.contract_precision<fp32>, transpose_lhs_hint = false} : vector<512x512xf32>, vector<512x8xf32>, vector<512x8xf32> -> vector<512x8xf32>
    %reduce_sum3A_69 = arith.constant dense<0.000000e+00> : vector<8xf32>
    %reduce_sum3A_70 = vector.multi_reduction <add>, %convert_element_type3A_56, %reduce_sum3A_69 [0] : vector<512x8xf32> to vector<8xf32>
    %broadcast_in_dim3A_71 = vector.shape_cast %reduce_sum3A_70 : vector<8xf32> to vector<1x8xf32>
    %reduce_sum3A_72 = arith.constant dense<0.000000e+00> : vector<8xf32>
    %reduce_sum3A_73 = vector.multi_reduction <add>, %convert_element_type3A_60, %reduce_sum3A_72 [0] : vector<512x8xf32> to vector<8xf32>
    %broadcast_in_dim3A_74 = vector.shape_cast %reduce_sum3A_73 : vector<8xf32> to vector<1x8xf32>
    %add3A_75 = arith.addf %broadcast_in_dim3A_71, %broadcast_in_dim3A_74 : vector<1x8xf32>
    %convert_element_type3A_76 = arith.fptosi %add3A_75 : vector<1x8xf32> to vector<1x8xi32>
    %add3A_77 = arith.constant 63 : i32
    %add3A_78 = vector.broadcast %add3A_77 : i32 to vector<1x8xi32>
    %add3A_79 = arith.addi %convert_element_type3A_76, %add3A_78 : vector<1x8xi32>
    %jit3A_80 = arith.constant 64 : i32
    %div3A_81 = vector.broadcast %jit3A_80 : i32 to vector<1x8xi32>
    %div3A_82 = arith.divsi %add3A_79, %div3A_81 : vector<1x8xi32>
    %sign3A = arith.constant 0 : i32
    %sign3A_83 = vector.broadcast %sign3A : i32 to vector<1x8xi32>
    %sign3A_84 = arith.cmpi sgt, %add3A_79, %sign3A_83 : vector<1x8xi32>
    %sign3A_85 = arith.extui %sign3A_84 : vector<1x8xi1> to vector<1x8xi32>
    %sign3A_86 = arith.constant 0 : i32
    %sign3A_87 = vector.broadcast %sign3A_86 : i32 to vector<1x8xi32>
    %sign3A_88 = arith.cmpi slt, %add3A_79, %sign3A_87 : vector<1x8xi32>
    %sign3A_89 = arith.extui %sign3A_88 : vector<1x8xi1> to vector<1x8xi32>
    %sign3A_90 = arith.subi %sign3A_85, %sign3A_89 : vector<1x8xi32>
    %sign3A_91 = arith.constant 0 : i32
    %sign3A_92 = arith.cmpi sgt, %jit3A_80, %sign3A_91 : i32
    %sign3A_93 = arith.extui %sign3A_92 : i1 to i32
    %sign3A_94 = arith.constant 0 : i32
    %sign3A_95 = arith.cmpi slt, %jit3A_80, %sign3A_94 : i32
    %sign3A_96 = arith.extui %sign3A_95 : i1 to i32
    %sign3A_97 = arith.subi %sign3A_93, %sign3A_96 : i32
    %ne3A = vector.broadcast %sign3A_97 : i32 to vector<1x8xi32>
    %ne3A_98 = arith.cmpi ne, %sign3A_90, %ne3A : vector<1x8xi32>
    %rem3A = vector.broadcast %jit3A_80 : i32 to vector<1x8xi32>
    %rem3A_99 = arith.remsi %add3A_79, %rem3A : vector<1x8xi32>
    %ne3A_100 = arith.constant 0 : i32
    %ne3A_101 = vector.broadcast %ne3A_100 : i32 to vector<1x8xi32>
    %ne3A_102 = arith.cmpi ne, %rem3A_99, %ne3A_101 : vector<1x8xi32>
    %and3A = arith.andi %ne3A_98, %ne3A_102 : vector<1x8xi1>
    %sub3A_103 = arith.constant 1 : i32
    %sub3A_104 = vector.broadcast %sub3A_103 : i32 to vector<1x8xi32>
    %sub3A_105 = arith.subi %div3A_82, %sub3A_104 : vector<1x8xi32>
    %select_n3A_106 = arith.select %and3A, %sub3A_105, %div3A_82 : vector<1x8xi1>, vector<1x8xi32>
    %mul3A_107 = arith.constant 64 : i32
    %mul3A_108 = vector.broadcast %mul3A_107 : i32 to vector<1x8xi32>
    %mul3A_109 = arith.muli %select_n3A_106, %mul3A_108 : vector<1x8xi32>
    %convert_element_type3A_110 = arith.sitofp %mul3A_109 : vector<1x8xi32> to vector<1x8xf32>
    %iota3A_111 = tpu.iota {dimensions = array<i32: 0>} : vector<8x8xi32>
    %iota3A_112 = tpu.iota {dimensions = array<i32: 1>} : vector<8x8xi32>
    %eq3A_113 = arith.cmpi eq, %iota3A_111, %iota3A_112 : vector<8x8xi32>
    %convert_element_type3A_114 = arith.extui %eq3A_113 : vector<8x8xi1> to vector<8x8xi32>
    %convert_element_type3A_115 = arith.sitofp %convert_element_type3A_114 : vector<8x8xi32> to vector<8x8xf32>
    %mul3A_116 = vector.broadcast %convert_element_type3A_110 : vector<1x8xf32> to vector<8x8xf32>
    %mul3A_117 = arith.mulf %mul3A_116, %convert_element_type3A_115 : vector<8x8xf32>
    %reduce_sum3A_118 = arith.constant dense<0.000000e+00> : vector<8xf32>
    %reduce_sum3A_119 = vector.multi_reduction <add>, %mul3A_117, %reduce_sum3A_118 [1] : vector<8x8xf32> to vector<8xf32>
    %broadcast_in_dim3A_120 = vector.shape_cast %reduce_sum3A_119 : vector<8xf32> to vector<8x1xf32>
    %lt3A_121 = arith.cmpi slt, %iota3A_111, %iota3A_112 : vector<8x8xi32>
    %convert_element_type3A_122 = arith.extui %lt3A_121 : vector<8x8xi1> to vector<8x8xi32>
    %convert_element_type3A_123 = arith.sitofp %convert_element_type3A_122 : vector<8x8xi32> to vector<8x8xf32>
    %mul3A_124 = vector.broadcast %broadcast_in_dim3A_120 : vector<8x1xf32> to vector<8x8xf32>
    %mul3A_125 = arith.mulf %mul3A_124, %convert_element_type3A_123 : vector<8x8xf32>
    %reduce_sum3A_126 = arith.constant dense<0.000000e+00> : vector<8xf32>
    %reduce_sum3A_127 = vector.multi_reduction <add>, %mul3A_125, %reduce_sum3A_126 [0] : vector<8x8xf32> to vector<8xf32>
    %broadcast_in_dim3A_128 = vector.shape_cast %reduce_sum3A_127 : vector<8xf32> to vector<1x8xf32>
    %mul3A_129 = arith.mulf %dot_general3A_66, %convert_element_type3A_56 : vector<512x8xf32>
    %reduce_sum3A_130 = arith.constant dense<0.000000e+00> : vector<512xf32>
    %reduce_sum3A_131 = vector.multi_reduction <add>, %mul3A_129, %reduce_sum3A_130 [1] : vector<512x8xf32> to vector<512xf32>
    %broadcast_in_dim3A_132 = vector.shape_cast %reduce_sum3A_131 : vector<512xf32> to vector<512x1xf32>
    %mul3A_133 = arith.mulf %dot_general3A_68, %convert_element_type3A_60 : vector<512x8xf32>
    %reduce_sum3A_134 = arith.constant dense<0.000000e+00> : vector<512xf32>
    %reduce_sum3A_135 = vector.multi_reduction <add>, %mul3A_133, %reduce_sum3A_134 [1] : vector<512x8xf32> to vector<512xf32>
    %broadcast_in_dim3A_136 = vector.shape_cast %reduce_sum3A_135 : vector<512xf32> to vector<512x1xf32>
    %mul3A_137 = vector.broadcast %broadcast_in_dim3A_71 : vector<1x8xf32> to vector<512x8xf32>
    %mul3A_138 = arith.mulf %mul3A_137, %convert_element_type3A_60 : vector<512x8xf32>
    %reduce_sum3A_139 = arith.constant dense<0.000000e+00> : vector<512xf32>
    %reduce_sum3A_140 = vector.multi_reduction <add>, %mul3A_138, %reduce_sum3A_139 [1] : vector<512x8xf32> to vector<512xf32>
    %broadcast_in_dim3A_141 = vector.shape_cast %reduce_sum3A_140 : vector<512xf32> to vector<512x1xf32>
    %add3A_142 = arith.addf %broadcast_in_dim3A_136, %broadcast_in_dim3A_141 : vector<512x1xf32>
    %mul3A_143 = vector.broadcast %broadcast_in_dim3A_128 : vector<1x8xf32> to vector<512x8xf32>
    %mul3A_144 = arith.mulf %mul3A_143, %convert_element_type3A_56 : vector<512x8xf32>
    %reduce_sum3A_145 = arith.constant dense<0.000000e+00> : vector<512xf32>
    %reduce_sum3A_146 = vector.multi_reduction <add>, %mul3A_144, %reduce_sum3A_145 [1] : vector<512x8xf32> to vector<512xf32>
    %broadcast_in_dim3A_147 = vector.shape_cast %reduce_sum3A_146 : vector<512xf32> to vector<512x1xf32>
    %add3A_148 = arith.addf %broadcast_in_dim3A_147, %broadcast_in_dim3A_132 : vector<512x1xf32>
    %mul3A_149 = vector.broadcast %broadcast_in_dim3A_128 : vector<1x8xf32> to vector<512x8xf32>
    %mul3A_150 = arith.mulf %mul3A_149, %convert_element_type3A_60 : vector<512x8xf32>
    %reduce_sum3A_151 = arith.constant dense<0.000000e+00> : vector<512xf32>
    %reduce_sum3A_152 = vector.multi_reduction <add>, %mul3A_150, %reduce_sum3A_151 [1] : vector<512x8xf32> to vector<512xf32>
    %broadcast_in_dim3A_153 = vector.shape_cast %reduce_sum3A_152 : vector<512xf32> to vector<512x1xf32>
    %add3A_154 = arith.addf %broadcast_in_dim3A_153, %add3A_142 : vector<512x1xf32>
    %concatenate3A = tpu.concatenate %add3A_148, %add3A_154 in 0 : vector<512x1xf32>, vector<512x1xf32> -> vector<1024x1xf32>
    %convert_element_type3A_155 = arith.fptosi %concatenate3A : vector<1024x1xf32> to vector<1024x1xi32>
    %swap3A_156 = arith.constant 0 : index
    %swap3A_157 = arith.constant 0 : index
    %swap3A_158 = vector.load %arg4[%swap3A_156, %swap3A_157] : memref<1024x1xi32, #tpu.memory_space<vmem>>, vector<1024x1xi32>
    tpu.vector_store %arg4[%swap3A_156, %swap3A_157], %convert_element_type3A_155 {strides = array<i32>} : memref<1024x1xi32, #tpu.memory_space<vmem>>, vector<1024x1xi32>,
    %iota3A_159 = tpu.iota {dimensions = array<i32: 1>} : vector<512x1536xi32>
    %convert_element_type3A_160 = arith.sitofp %iota3A_159 : vector<512x1536xi32> to vector<512x1536xf32>
    %iota3A_161 = tpu.iota {dimensions = array<i32: 0>} : vector<512x1536xi32>
    %convert_element_type3A_162 = arith.sitofp %iota3A_161 : vector<512x1536xi32> to vector<512x1536xf32>
    %eq3A_163 = vector.broadcast %add3A_148 : vector<512x1xf32> to vector<512x1536xf32>
    %eq3A_164 = arith.cmpf oeq, %eq3A_163, %convert_element_type3A_160 : vector<512x1536xf32>
    %jit3A_165 = arith.constant 0.000000e+00 : f32
    %broadcast_in_dim3A_166 = vector.broadcast %jit3A_165 : f32 to vector<512x1536xf32>
    %select_n3A_167 = arith.select %eq3A_164, %convert_element_type3A_162, %broadcast_in_dim3A_166 : vector<512x1536xi1>, vector<512x1536xf32>
    %eq3A_168 = vector.broadcast %add3A_154 : vector<512x1xf32> to vector<512x1536xf32>
    %eq3A_169 = arith.cmpf oeq, %eq3A_168, %convert_element_type3A_160 : vector<512x1536xf32>
    %jit3A_170 = arith.constant 0.000000e+00 : f32
    %broadcast_in_dim3A_171 = vector.broadcast %jit3A_170 : f32 to vector<512x1536xf32>
    %select_n3A_172 = arith.select %eq3A_169, %convert_element_type3A_162, %broadcast_in_dim3A_171 : vector<512x1536xi1>, vector<512x1536xf32>
    %add3A_173 = arith.addf %select_n3A_167, %select_n3A_172 : vector<512x1536xf32>
    %reduce_sum3A_174 = arith.constant dense<0.000000e+00> : vector<1536xf32>
    %reduce_sum3A_175 = vector.multi_reduction <add>, %add3A_173, %reduce_sum3A_174 [0] : vector<512x1536xf32> to vector<1536xf32>
    %broadcast_in_dim3A_176 = vector.shape_cast %reduce_sum3A_175 : vector<1536xf32> to vector<1x1536xf32>
    %convert_element_type3A_177 = arith.fptosi %broadcast_in_dim3A_176 : vector<1x1536xf32> to vector<1x1536xi32>
    %swap3A_178 = arith.constant 0 : index
    %swap3A_179 = arith.constant 0 : index
    %swap3A_180 = vector.load %arg3[%swap3A_178, %swap3A_179] : memref<1x1536xi32, #tpu.memory_space<vmem>>, vector<1x1536xi32>
    tpu.vector_store %arg3[%swap3A_178, %swap3A_179], %convert_element_type3A_177 {strides = array<i32>} : memref<1x1536xi32, #tpu.memory_space<vmem>>, vector<1x1536xi32>,
    %iota3A_181 = tpu.iota {dimensions = array<i32: 1>} : vector<512x4xi32>
    %eq3A_182 = arith.constant 0 : i32
    %eq3A_183 = vector.broadcast %eq3A_182 : i32 to vector<512x4xi32>
    %eq3A_184 = arith.cmpi eq, %iota3A_181, %eq3A_183 : vector<512x4xi32>
    %convert_element_type3A_185 = arith.extui %eq3A_184 : vector<512x4xi1> to vector<512x4xi32>
    %convert_element_type3A_186 = arith.sitofp %convert_element_type3A_185 : vector<512x4xi32> to vector<512x4xf32>
    %mul3A_187 = vector.broadcast %div3A_50 : vector<512x1xf32> to vector<512x4xf32>
    %mul3A_188 = arith.mulf %mul3A_187, %convert_element_type3A_186 : vector<512x4xf32>
    %eq3A_189 = arith.constant 1 : i32
    %eq3A_190 = vector.broadcast %eq3A_189 : i32 to vector<512x4xi32>
    %eq3A_191 = arith.cmpi eq, %iota3A_181, %eq3A_190 : vector<512x4xi32>
    %convert_element_type3A_192 = arith.extui %eq3A_191 : vector<512x4xi1> to vector<512x4xi32>
    %convert_element_type3A_193 = arith.sitofp %convert_element_type3A_192 : vector<512x4xi32> to vector<512x4xf32>
    %mul3A_194 = vector.broadcast %sub3A_53 : vector<512x1xf32> to vector<512x4xf32>
    %mul3A_195 = arith.mulf %mul3A_194, %convert_element_type3A_193 : vector<512x4xf32>
    %add3A_196 = arith.addf %mul3A_188, %mul3A_195 : vector<512x4xf32>
    %eq3A_197 = arith.constant 2 : i32
    %eq3A_198 = vector.broadcast %eq3A_197 : i32 to vector<512x4xi32>
    %eq3A_199 = arith.cmpi eq, %iota3A_181, %eq3A_198 : vector<512x4xi32>
    %convert_element_type3A_200 = arith.extui %eq3A_199 : vector<512x4xi1> to vector<512x4xi32>
    %convert_element_type3A_201 = arith.sitofp %convert_element_type3A_200 : vector<512x4xi32> to vector<512x4xf32>
    %mul3A_202 = vector.broadcast %sqrt3A : vector<512x1xf32> to vector<512x4xf32>
    %mul3A_203 = arith.mulf %mul3A_202, %convert_element_type3A_201 : vector<512x4xf32>
    %add3A_204 = arith.addf %add3A_196, %mul3A_203 : vector<512x4xf32>
    %eq3A_205 = arith.constant 3 : i32
    %eq3A_206 = vector.broadcast %eq3A_205 : i32 to vector<512x4xi32>
    %eq3A_207 = arith.cmpi eq, %iota3A_181, %eq3A_206 : vector<512x4xi32>
    %convert_element_type3A_208 = arith.extui %eq3A_207 : vector<512x4xi1> to vector<512x4xi32>
    %convert_element_type3A_209 = arith.sitofp %convert_element_type3A_208 : vector<512x4xi32> to vector<512x4xf32>
    %mul3A_210 = vector.broadcast %div3A_4 : vector<512x1xf32> to vector<512x4xf32>
    %mul3A_211 = arith.mulf %mul3A_210, %convert_element_type3A_209 : vector<512x4xf32>
    %add3A_212 = arith.addf %add3A_204, %mul3A_211 : vector<512x4xf32>
    %swap3A_213 = arith.constant 0 : index
    %swap3A_214 = arith.constant 0 : index
    %swap3A_215 = vector.load %arg5[%swap3A_213, %swap3A_214] : memref<512x4xf32, #tpu.memory_space<vmem>>, vector<512x4xf32>
    tpu.vector_store %arg5[%swap3A_213, %swap3A_214], %add3A_212 {strides = array<i32>} : memref<512x4xf32, #tpu.memory_space<vmem>>, vector<512x4xf32>,
    %iota3A_216 = tpu.iota {dimensions = array<i32: 1>} : vector<8x24xi32>
    %mul3A_217 = arith.constant 64 : i32
    %mul3A_218 = vector.broadcast %mul3A_217 : i32 to vector<8x24xi32>
    %mul3A_219 = arith.muli %iota3A_216, %mul3A_218 : vector<8x24xi32>
    %convert_element_type3A_220 = arith.sitofp %mul3A_219 : vector<8x24xi32> to vector<8x24xf32>
    %eq3A_221 = arith.cmpi eq, %iota3A_111, %iota3A_112 : vector<8x8xi32>
    %convert_element_type3A_222 = arith.extui %eq3A_221 : vector<8x8xi1> to vector<8x8xi32>
    %convert_element_type3A_223 = arith.sitofp %convert_element_type3A_222 : vector<8x8xi32> to vector<8x8xf32>
    %mul3A_224 = vector.broadcast %broadcast_in_dim3A_128 : vector<1x8xf32> to vector<8x8xf32>
    %mul3A_225 = arith.mulf %mul3A_224, %convert_element_type3A_223 : vector<8x8xf32>
    %reduce_sum3A_226 = arith.constant dense<0.000000e+00> : vector<8xf32>
    %reduce_sum3A_227 = vector.multi_reduction <add>, %mul3A_225, %reduce_sum3A_226 [1] : vector<8x8xf32> to vector<8xf32>
    %broadcast_in_dim3A_228 = vector.shape_cast %reduce_sum3A_227 : vector<8xf32> to vector<8x1xf32>
    %le3A = vector.broadcast %broadcast_in_dim3A_228 : vector<8x1xf32> to vector<8x24xf32>
    %le3A_229 = arith.cmpf ole, %le3A, %convert_element_type3A_220 : vector<8x24xf32>
    %convert_element_type3A_230 = arith.extui %le3A_229 : vector<8x24xi1> to vector<8x24xi32>
    %convert_element_type3A_231 = arith.sitofp %convert_element_type3A_230 : vector<8x24xi32> to vector<8x24xf32>
    %reduce_sum3A_232 = arith.constant dense<0.000000e+00> : vector<24xf32>
    %reduce_sum3A_233 = vector.multi_reduction <add>, %convert_element_type3A_231, %reduce_sum3A_232 [0] : vector<8x24xf32> to vector<24xf32>
    %broadcast_in_dim3A_234 = vector.shape_cast %reduce_sum3A_233 : vector<24xf32> to vector<1x24xf32>
    %sub3A_235 = arith.constant 1.000000e+00 : f32
    %sub3A_236 = vector.broadcast %sub3A_235 : f32 to vector<1x24xf32>
    %sub3A_237 = arith.subf %broadcast_in_dim3A_234, %sub3A_236 : vector<1x24xf32>
    %convert_element_type3A_238 = arith.fptosi %sub3A_237 : vector<1x24xf32> to vector<1x24xi32>
    %swap3A_239 = arith.constant 0 : index
    %swap3A_240 = arith.constant 0 : index
    %swap3A_241 = vector.load %arg6[%swap3A_239, %swap3A_240] : memref<1x24xi32, #tpu.memory_space<vmem>>, vector<1x24xi32>
    tpu.vector_store %arg6[%swap3A_239, %swap3A_240], %convert_element_type3A_238 {strides = array<i32>} : memref<1x24xi32, #tpu.memory_space<vmem>>, vector<1x24xi32>,
    %reduce_sum3A_242 = vector.shape_cast %convert_element_type3A_110 : vector<1x8xf32> to vector<1x1x8xf32>
    %reduce_sum3A_243 = arith.constant dense<0.000000e+00> : vector<1xf32>
    %reduce_sum3A_244 = vector.multi_reduction <add>, %reduce_sum3A_242, %reduce_sum3A_243 [1, 2] : vector<1x1x8xf32> to vector<1xf32>
    %reduce_sum3A_245 = vector.shape_cast %reduce_sum3A_244 : vector<1xf32> to vector<1x1x1xf32>
    %reduce_sum3A_246 = vector.extract %reduce_sum3A_245[0, 0, 0] : f32 from vector<1x1x1xf32>
    %iota3A_247 = tpu.iota {dimensions = array<i32: 1>} : vector<1x24xi32>
    %mul3A_248 = arith.constant 64 : i32
    %mul3A_249 = vector.broadcast %mul3A_248 : i32 to vector<1x24xi32>
    %mul3A_250 = arith.muli %iota3A_247, %mul3A_249 : vector<1x24xi32>
    %convert_element_type3A_251 = arith.sitofp %mul3A_250 : vector<1x24xi32> to vector<1x24xf32>
    %lt3A_252 = vector.broadcast %reduce_sum3A_246 : f32 to vector<1x24xf32>
    %lt3A_253 = arith.cmpf olt, %convert_element_type3A_251, %lt3A_252 : vector<1x24xf32>
    %convert_element_type3A_254 = arith.extui %lt3A_253 : vector<1x24xi1> to vector<1x24xi32>
    %swap3A_255 = arith.constant 0 : index
    %swap3A_256 = arith.constant 0 : index
    %swap3A_257 = vector.load %arg7[%swap3A_255, %swap3A_256] : memref<1x24xi32, #tpu.memory_space<vmem>>, vector<1x24xi32>
    tpu.vector_store %arg7[%swap3A_255, %swap3A_256], %convert_element_type3A_254 {strides = array<i32>} : memref<1x24xi32, #tpu.memory_space<vmem>>, vector<1x24xi32>,
    return
  }
}

module attributes {stable_mosaic.version = 14 : i64} {
  func.func @_group_body(%arg0: i32, %arg1: memref<24xi32, #tpu.memory_space<smem>>, %arg2: memref<24xi32, #tpu.memory_space<smem>>, %arg3: memref<64x512xf32, #tpu.memory_space<vmem>>, %arg4: memref<1x512x1024xf32, #tpu.memory_space<vmem>>, %arg5: memref<1x1x1024xf32, #tpu.memory_space<vmem>>, %arg6: memref<64x1024xf32, #tpu.memory_space<vmem>>) attributes {dimension_semantics = [#tpu.dimension_semantics<arbitrary>], iteration_bounds = array<i64: 24>, scalar_prefetch = 2 : i64, scratch_operands = 0 : i64, tpu.core_type = #tpu.core_type<tc>, window_params = [{transform_indices = @transform_0, window_bounds = array<i64: 64, 512>}, {transform_indices = @transform_1, window_bounds = array<i64: 1, 512, 1024>}, {transform_indices = @transform_2, window_bounds = array<i64: 1, 1, 1024>}, {transform_indices = @transform_3, window_bounds = array<i64: 64, 1024>}]} {
    %get3A = arith.index_cast %arg0 : i32 to index
    %get3A_0 = memref.load %arg2[%get3A] : memref<24xi32, #tpu.memory_space<smem>>
    %eq3A = arith.constant 1 : i32
    %eq3A_1 = arith.cmpi eq, %get3A_0, %eq3A : i32
    %convert_element_type3A = arith.extui %eq3A_1 : i1 to i32
    %cond3A = arith.constant 0 : i32
    %cond3A_2 = arith.cmpi ne, %convert_element_type3A, %cond3A : i32
    scf.if %cond3A_2 {
      %get3A_3 = arith.constant 0 : index
      %get3A_4 = arith.constant 0 : index
      %get3A_5 = vector.load %arg3[%get3A_3, %get3A_4] : memref<64x512xf32, #tpu.memory_space<vmem>>, vector<64x512xf32>
      %get3A_6 = arith.constant 0 : index
      %get3A_7 = arith.constant 0 : index
      %get3A_8 = arith.constant 0 : index
      %get3A_9 = vector.load %arg4[%get3A_6, %get3A_7, %get3A_8] : memref<1x512x1024xf32, #tpu.memory_space<vmem>>, vector<1x512x1024xf32>
      %get3A_10 = vector.shape_cast %get3A_9 : vector<1x512x1024xf32> to vector<512x1024xf32>
      %dot_general3A = arith.constant dense<0.000000e+00> : vector<64x1024xf32>
      %dot_general3A_11 = tpu.matmul %get3A_5, %get3A_10, %dot_general3A {dimension_numbers = #tpu.dot_dimension_numbers<[1], [0], [0], [1], [0, 0, 1, 1], [], []>, transpose_lhs_hint = false} : vector<64x512xf32>, vector<512x1024xf32>, vector<64x1024xf32> -> vector<64x1024xf32>
      %get3A_12 = arith.constant 0 : index
      %get3A_13 = arith.constant 0 : index
      %get3A_14 = arith.constant 0 : index
      %get3A_15 = vector.load %arg5[%get3A_12, %get3A_13, %get3A_14] : memref<1x1x1024xf32, #tpu.memory_space<vmem>>, vector<1x1x1024xf32>
      %get3A_16 = vector.shape_cast %get3A_15 : vector<1x1x1024xf32> to vector<1x1024xf32>
      %add3A = vector.broadcast %get3A_16 : vector<1x1024xf32> to vector<64x1024xf32>
      %add3A_17 = arith.addf %dot_general3A_11, %add3A : vector<64x1024xf32>
      %max3A = arith.constant 0.000000e+00 : f32
      %max3A_18 = vector.broadcast %max3A : f32 to vector<64x1024xf32>
      %max3A_19 = arith.maximumf %add3A_17, %max3A_18 : vector<64x1024xf32>
      %swap3A = arith.constant 0 : index
      %swap3A_20 = arith.constant 0 : index
      %swap3A_21 = vector.load %arg6[%swap3A, %swap3A_20] : memref<64x1024xf32, #tpu.memory_space<vmem>>, vector<64x1024xf32>
      tpu.vector_store %arg6[%swap3A, %swap3A_20], %max3A_19 {strides = array<i32>} : memref<64x1024xf32, #tpu.memory_space<vmem>>, vector<64x1024xf32>,
    } else {
    }
    return
  }
  func.func @transform_0(%arg0: i32, %arg1: memref<24xi32, #tpu.memory_space<smem>>, %arg2: memref<24xi32, #tpu.memory_space<smem>>) -> (i32, i32) {
    %c0_i32 = arith.constant 0 : i32
    %c0_i32_0 = arith.constant 0 : i32
    return %arg0, %c0_i32 : i32, i32
  }
  func.func @transform_1(%arg0: i32, %arg1: memref<24xi32, #tpu.memory_space<smem>>, %arg2: memref<24xi32, #tpu.memory_space<smem>>) -> (i32, i32, i32) {
    %get3A = arith.index_cast %arg0 : i32 to index
    %get3A_0 = memref.load %arg1[%get3A] : memref<24xi32, #tpu.memory_space<smem>>
    %c0_i32 = arith.constant 0 : i32
    %c0_i32_1 = arith.constant 0 : i32
    %c0_i32_2 = arith.constant 0 : i32
    return %get3A_0, %c0_i32, %c0_i32_1 : i32, i32, i32
  }
  func.func @transform_2(%arg0: i32, %arg1: memref<24xi32, #tpu.memory_space<smem>>, %arg2: memref<24xi32, #tpu.memory_space<smem>>) -> (i32, i32, i32) {
    %get3A = arith.index_cast %arg0 : i32 to index
    %get3A_0 = memref.load %arg1[%get3A] : memref<24xi32, #tpu.memory_space<smem>>
    %c0_i32 = arith.constant 0 : i32
    %c0_i32_1 = arith.constant 0 : i32
    %c0_i32_2 = arith.constant 0 : i32
    return %get3A_0, %c0_i32, %c0_i32_1 : i32, i32, i32
  }
  func.func @transform_3(%arg0: i32, %arg1: memref<24xi32, #tpu.memory_space<smem>>, %arg2: memref<24xi32, #tpu.memory_space<smem>>) -> (i32, i32) {
    %c0_i32 = arith.constant 0 : i32
    %c0_i32_0 = arith.constant 0 : i32
    return %arg0, %c0_i32 : i32, i32
  }
}

</mosaic_0001>

<sc_bundles>
// kernel: kernel.10.cloned.1.call-start
scs
__scs_entry_jumppad:
0x0: {  	(pc) =	sbr.rel $0x88, $3  }
0x1: {  	(tag) =	ssettag $0x0;
	lr =	simm.s32 $0x1  }
0x2: {  	[smem:$0x3F99] =	sst lr;
	_ =	strace $0xD0000000  }
0x3: {  	_ = 	snop  }
0x4: {  	_ = 	snop  }
0x5: {  	_ = 	snop  }
0x6: {  	_ = 	snop  }
0x7: {  	_ = 	snop  }
__scs_overlays_trampoline_lowered:
0x8: {  	[smem:$0x3FA8] =	sst s0  }
0x9: {  	[smem:$0x3FA9] =	sst s1  }
0xa: {  	[smem:$0x3FAA] =	sst s2  }
0xb: {  	[smem:$0x3FAB] =	sst s3  }
0xc: {  	[smem:$0x3FAC] =	sst s4  }
0xd: {  	[smem:$0x3FAD] =	sst s5  }
0xe: {  	[smem:$0x3FAE] =	sst s6  }
0xf: {  	[smem:$0x3FAF] =	sst s7  }
0x10: {  	[smem:$0x3FB0] =	sst s8  }
0x11: {  	[smem:$0x3FB1] =	sst s9;
	s0 =	simm.s32 @!p0 $0x0  }
0x12: {  	s1 =	sld [smem:$0x3F97];
	s0 =	simm.s32 @p0 $0x1  }
0x13: {  	[smem:$0x3FB2] =	sst s0;
	s0 =	simm.s32 @!p1 $0x0  }
0x14: {  	s2 =	sld [smem:$0x3F96];
	s0 =	simm.s32 @p1 $0x1  }
0x15: {  	[smem:$0x3FB3] =	sst s0;
	s0 =	simm.s32 @!p2 $0x0  }
0x16: {  	s3 =	sld [smem:$0x3FDB];
	s0 =	simm.s32 @p2 $0x1  }
0x17: {  	s4 =	simm.s32 $0x1BF5;
	[smem:$0x3FB5] =	sst s0  }
0x18: {  	s0 =	sld [smem:$0x3F98];
	_ =	swait.ge [sflag:s4], $0x0  }
0x19: {  	s7 =	sld [smem:$0x3F99]  }
0x1a: {  	s8 =	sadd.s32 $0xFFFFE003, lr  }
0x1b: {  	s9 =	sadd.s32 $0xFFFFFEF7, lr;
	s5 =	simm.s32 $0xFFFFFFFF;
	p2 =	slt.u32 s8, $0xFFFFF086  }
0x1c: {  	p1 =	slt.u32 s9, $0xF7A;
	s5 =	simm.s32 @!p2 $0x0  }
0x1d: {  	s5 =	simm.s32 @p1 $0x1;
	p0 =	seq.s32 s7, s2  }
0x1e: {  	s7 =	smul.u32 @!p0 $0xF7A, s2;
	p2 =	seq.s32 @!p0 s5, $0x0  }
0x1f: {  	s9 =	smul.u32 $0xF7A, s1;
	s8 =	simm.s32 @!p0 $0x1BF5;
	p2 =	por !p2, p0  }
0x20: {  	[sflag:s8] =	ssyncset.s32 @!p0 $0xFFFFF086;
	s6 =	sadd.s32 @!p0 s3, s7;
	s7 =	simm.s32 @!p0 $0x108  }
0x21: {  	s3 =	sadd.s32 s3, s9;
	s6 =	sadd.s32 @!p0 $0x88, s6;
	s7 =	simm.s32 @p2 $0x1082  }
0x22: {  	[simem:s7], [sflag:s8] =	dma.local @!p0 [hbm:s6], $0xF7A  }
0x23: {  	s9 =	sor.u32 $0xD0000000, s2;
	s6 =	simm.s32 $0x108;
	_ =	swait.ge @!p0 [sflag:s8], $0x0  }
0x24: {  	s3 =	sadd.s32 $0x88, s3;
	s6 =	simm.s32 @!p1 $0x1082;
	[sflag:s4] =	ssyncset.s32 $0xFFFFF086  }
0x25: {  	[simem:s6], [sflag:s4] =	dma.local [hbm:s3], $0xF7A  }
0x26: {  	[smem:$0x3F99] =	sst s1;
	(tag) =	ssettag s2;
	_ =	strace s9  }
0x27: {  	s1 =	sld [smem:$0x3FA9]  }
0x28: {  	s2 =	sld [smem:$0x3FAA]  }
0x29: {  	s4 =	sld [smem:$0x3FAC]  }
0x2a: {  	p0 =	seq.s32 s5, $0x0;
	s5 =	sld [smem:$0x3FAD]  }
0x2b: {  	s6 =	sld [smem:$0x3FAE]  }
0x2c: {  	s7 =	sld [smem:$0x3FAF]  }
0x2d: {  	s3 =	simm.s32 $0x108;
	s8 =	sld [smem:$0x3FB0]  }
0x2e: {  	s3 =	simm.s32 @!p0 $0x1082;
	s9 =	sld [smem:$0x3FB1]  }
0x2f: {  	lr =	sadd.s32 s0, s3;
	s0 =	sld [smem:$0x3FA8]  }
0x30: {  	s3 =	sld [smem:$0x3FAB]  }
0x31: {  	[smem:$0x3FB4] =	sst s10  }
0x32: {  	s10 =	sld [smem:$0x3FB2];
	_ =	sdelay $0x3  }
0x33: {  	p0 =	seq.s32 s10, $0x1;
	s10 =	sld [smem:$0x3FB4];
	_ =	sdelay $0x3  }
0x34: {  	[smem:$0x3FB4] =	sst s10  }
0x35: {  	s10 =	sld [smem:$0x3FB3];
	_ =	sdelay $0x3  }
0x36: {  	p1 =	seq.s32 s10, $0x1;
	s10 =	sld [smem:$0x3FB4];
	_ =	sdelay $0x3  }
0x37: {  	[smem:$0x3FB4] =	sst s10  }
0x38: {  	s10 =	sld [smem:$0x3FB5]  }
0x39: {  	_ = 	snop;
	(pc) =	sbr.ind lr, $3  }
0x3a: {  	_ = 	snop  }
0x3b: {  	_ = 	snop  }
0x3c: {  	p2 =	seq.s32 s10, $0x1;
	s10 =	sld [smem:$0x3FB4]  }
0x3d: {  	_ =	shalt  }
0x3e: {  	_ =	shalt  }
0x3f: {  	_ =	shalt  }
0x40: {  	_ =	shalt  }
0x41: {  	_ =	shalt  }
0x42: {  	_ =	shalt  }
0x43: {  	_ =	shalt  }
0x44: {  	_ =	shalt  }
0x45: {  	_ =	shalt  }
0x46: {  	_ =	shalt  }
0x47: {  	_ =	shalt  }
0x48: {  	_ =	shalt  }
0x49: {  	_ =	shalt  }
0x4a: {  	_ =	shalt  }
0x4b: {  	_ =	shalt  }
0x4c: {  	_ =	shalt  }
0x4d: {  	_ =	shalt  }
0x4e: {  	_ =	shalt  }
0x4f: {  	_ =	shalt  }
0x50: {  	_ =	shalt  }
0x51: {  	_ =	shalt  }
0x52: {  	_ =	shalt  }
0x53: {  	_ =	shalt  }
0x54: {  	_ =	shalt  }
0x55: {  	_ =	shalt  }
0x56: {  	_ =	shalt  }
0x57: {  	_ =	shalt  }
0x58: {  	_ =	shalt  }
0x59: {  	_ =	shalt  }
0x5a: {  	_ =	shalt  }
0x5b: {  	_ =	shalt  }
0x5c: {  	_ =	shalt  }
0x5d: {  	_ =	shalt  }
0x5e: {  	_ =	shalt  }
0x5f: {  	_ =	shalt  }
0x60: {  	_ =	shalt  }
0x61: {  	_ =	shalt  }
0x62: {  	_ =	shalt  }
0x63: {  	_ =	shalt  }
0x64: {  	_ =	shalt  }
0x65: {  	_ =	shalt  }
0x66: {  	_ =	shalt  }
0x67: {  	_ =	shalt  }
0x68: {  	_ =	shalt  }
0x69: {  	_ =	shalt  }
0x6a: {  	_ =	shalt  }
0x6b: {  	_ =	shalt  }
0x6c: {  	_ =	shalt  }
0x6d: {  	_ =	shalt  }
0x6e: {  	_ =	shalt  }
0x6f: {  	_ =	shalt  }
0x70: {  	_ =	shalt  }
0x71: {  	_ =	shalt  }
0x72: {  	_ =	shalt  }
0x73: {  	_ =	shalt  }
0x74: {  	_ =	shalt  }
0x75: {  	_ =	shalt  }
0x76: {  	_ =	shalt  }
0x77: {  	_ =	shalt  }
0x78: {  	_ =	shalt  }
0x79: {  	_ =	shalt  }
0x7a: {  	_ =	shalt  }
0x7b: {  	_ =	shalt  }
0x7c: {  	_ =	shalt  }
0x7d: {  	_ =	shalt  }
0x7e: {  	_ =	shalt  }
0x7f: {  	_ =	shalt  }
0x80: {  	_ =	shalt  }
0x81: {  	_ =	shalt  }
0x82: {  	_ =	shalt  }
0x83: {  	_ =	shalt  }
0x84: {  	_ =	shalt  }
0x85: {  	_ =	shalt  }
0x86: {  	_ =	shalt  }
0x87: {  	_ =	shalt  }
.Lfunc_end0:
.L_simem_size_0:
called_computation.1_lowered:
.L_overlay_start_0:
0x88: {  	s2 =	sld [smem:$0x3FD9]  }
0x89: {  	s3 =	sld [smem:$0x3FFE];
	_ =	sdelay $0x1  }
0x8a: {  	s1 =	srdreg.scid  }
0x8b: {  	s0 =	sand.u32 $0x1, s1  }
0x8c: {  	s16 =	sshll.u32 s0, $0xA;
	s2 =	sadd.s32 s3, s2  }
0x8d: {  	s2 =	sadd.s32 s2, s16  }
0x8e: {  	[smem:$0x3FC0] =	sst s2  }
0x8f: {  	_ = 	snop  }
0x90: {  	(tm) =	ssettm $0x1  }
0x91: {  	s17 =	sld [smem:$0x3FFB];
	_ =	sdelay $0x3  }
0x92: {  	_ =	strace s17  }
0x93: {  	s2 =	sld [smem:$0x3FFC];
	_ =	sdelay $0x3  }
0x94: {  	_ =	strace s2  }
0x95: {  	s2 =	sld [smem:$0x3FFD];
	_ =	sdelay $0x3  }
0x96: {  	_ =	strace s2  }
0x97: {  	_ =	strace $0x8FFFFFFF  }
0x98: {  	s18 =	sld [smem:$0x3FDB];
	_ =	sdelay $0x1  }
0x99: {  	s19 =	simm.s32 $_scs_section_size  }
0x9a: {  	s4 =	simm.s32 $_size__tile_overlayer_lowered;
	s5 =	simm.s32 $_tile_overlayer_lowered  }
0x9b: {  	s22 =	simm.s32 $0x1BFF;
	s21 =	sshll.u32 s5, $0x1;
	s2 =	sadd.s32 s19, s18  }
0x9c: {  	s6 =	simm.s32 $0x0;
	s20 =	sshll.u32 s4, $0x1;
	s4 =	sadd.s32 s21, s2  }
0x9d: {  	[timem:s6], [sflag:s22] =	dma.local [hbm:s4], s20  }
0x9e: {  	_ =	swait.ge [sflag:s22], s20  }
0x9f: {  	s3 =	ssub.s32 $0x0, s20;
	[sflag:s22] =	ssyncset.done $0x0  }
0xa0: {  	[sflag:s22] =	ssyncadd.s32 s3;
	_ =	sdelay $0x1  }
0xa1: {  	s23 =	simm.s32 $0x1B8B  }
0xa2: {  	_ =	swait.ge [sflag:s23], $0x1  }
0xa3: {  	[sflag:s23] =	ssyncset.done $0x0  }
0xa4: {  	s25 =	simm.s32 $0x1B8E;
	s24 =	sld [smem:$0x3FFE];
	[sflag:s23] =	ssyncadd.s32 $0xFFFFFFFF  }
0xa5: {  	s26 =	simm.s32 $execute0_lowered;
	[smem:$0x3FD2] =	sst s25  }
0xa6: {  	s4 =	sshll.u32 s26, $0x1;
	_ =	strace $0x80000049;
	[dreg:$0x1] =	wrdreg $0xFFFFFFFF  }
0xa7: {  	s28 =	simm.s32 $_size_execute0_lowered;
	s2 =	sadd.s32 s2, s4;
	[dreg:$0x0] =	wrdreg $0x0  }
0xa8: {  	s4 =	sshll.u32 s28, $0x1;
	[dreg:$0x2] =	wrdreg s2  }
0xa9: {  	[dreg:$0x3] =	wrdreg s4  }
0xaa: {  	[dreg:$0x4] =	wrdreg $0xC0  }
0xab: {  	_ =	task [dreg:s6], $0x5FFFF  }
0xac: {  	[dreg:$0x1] =	wrdreg $0xFFFFFFFF  }
0xad: {  	[dreg:$0x0] =	wrdreg $0x60  }
0xae: {  	[dreg:$0x2] =	wrdreg s24  }
0xaf: {  	[dreg:$0x3] =	wrdreg $0x9  }
0xb0: {  	_ =	task.clear_ibuf [dreg:s6], $0x4FFFF;
	_ =	strace $0x90000049  }
0xb1: {  	s29 =	simm.s32 $0x9;
	_ =	strace $0x8000004B  }
0xb2: {  	_ =	swait.ge [sflag:s29], $0x1  }
0xb3: {  	[sflag:s29] =	ssyncadd.s32 $0xFFFFFFFF  }
0xb4: {  	_ =	strace $0x9000004B  }
0xb5: {  	_ =	sfence  }
0xb6: {  	s30 =	sld [smem:$0x0];
	_ =	sdelay $0x2  }
0xb7: {  	s31 =	sshll.u32 s1, $0xD;
	s1 =	sshrl.u32 s1, $0x2  }
0xb8: {  	s3 =	sand.u32 $0x4000, s31;
	s1 =	sadd.s32 s1, s30  }
0xb9: {  	s0 =	sor.u32 s3, s0;
	s1 =	sshll.u32 s1, $0x11  }
0xba: {  	s0 =	sor.u32 s1, s0  }
0xbb: {  	s0 =	sadd.s32 $0x8F2B, s0  }
0xbc: {  	[sflag:s0] =	ssyncadd.remote.s32 $0x1  }
0xbd: {  	_ =	sfence.sel $0xFFFF  }
0xbe: {  	[dreg:$0x0] =	wrdreg $0xFFFFFFFF;
	(pc) =	sbr.abs _section_cstart, $3  }
0xbf: {  	[dreg:$0x1] =	wrdreg $0xFFFFFFFF  }
0xc0: {  	_ =	task.clear_ibuf [dreg:s6], $0x2FFFF;
	_ =	strace $0x9FFFFFFF  }
0xc1: {  	(tm) =	ssettm $0x7FFFFFFF  }
tec
execute0_lowered:
.L_overlay_start_1:
0x0: {  	(tag) =	ssettag $0x1  }
0x1: {  	s7 =	rddreg [dreg:$0x0]  }
0x2: {  	s0 =	rddreg [dreg:$0x1];
	s2 =	simm.s32 $0x0;
	s3 =	srdreg.scid  }
0x3: {  	s1 =	stileid.u32;
	s11 =	simm.s32 $0x80;
	s12 =	simm.s32 $0x880  }
0x4: {  	s13 =	simm.s32 $0x1080;
	s14 =	simm.s32 $0x1880;
	s15 =	simm.s32 $0x2080  }
0x5: {  	s16 =	simm.s32 $0x2880;
	s17 =	simm.s32 $0x3080;
	s18 =	simm.s32 $0x3880  }
0x6: {  	s19 =	simm.s32 $0x4080;
	s20 =	simm.s32 $0x4880;
	s21 =	simm.s32 $0x5080  }
0x7: {  	s22 =	simm.s32 $0x5880;
	s23 =	simm.s32 $0x6080;
	s24 =	simm.s32 $0x6880  }
0x8: {  	s25 =	simm.s32 $0x7080;
	s26 =	simm.s32 $0x7880;
	s28 =	simm.s32 $0x1  }
0x9: {  	[smem:$0x7FF] =	sst s2;
	s4 =	sand.u32 $0x1, s3;
	s5 =	sshll.u32 s1, $0x6  }
0xa: {  	s3 =	sadd.s32 $0x21600, s7;
	s6 =	sshll.u32 s4, $0x5;
	s4 =	ssub.s32 $0x2, s4  }
0xb: {  	_ =	strace $0x8000004A;
	s5 =	sor.u32 s6, s5;
	s8 =	sshrl.u32 s4, $0x1  }
0xc: {  	s6 =	sshrl.u32 s5, $0x3;
	s5 =	sshll.u32 s5, $0x7;
	s10 =	ssub.s32 s4, s8  }
0xd: {  	v2 =	vlaneseq.u32;
	s6 =	sadd.s32 s6, s7;
	s9 =	sadd.s32 s5, s7;
	s5 =	sadd.s32 $0x21700, s7  }
0xe: {  	vm0 =	vmmov $0xffff;
	v1 =	vshrl.u32 v2, $0x3;
	s4 =	sadd.s32 $0x21400, s6;
	s6 =	sadd.s32 $0x21800, s7;
	s7 =	sadd.s32 $0x21900, s7  }
0xf: {  	v0 =	vand.u32 $0x7, v2;
	v2 =	vor.u32 $0x8, v2;
	v1 =	vmul.u32 $0x8, v1;
	s8 =	sadd.s32 $0x1400, s9;
	s9 =	smax.u32 s10, $0x1;
	s10 =	simm.s32 $0x2  }
.LBB2_1:
0x10: {  	[tilespmem:s2], [sflag:$0x2] =	stream.linear.gather [hbm4b:s4+s2], $0x20, $0x38;
	[tilespmem:$0x8080] =	vst v63  }
0x11: {  	_ =	swait.ge [sflag:s10], $0x20  }
0x12: {  	[sflag:s10] =	ssyncset.done $0x0  }
0x13: {  	[sflag:s10] =	ssyncadd.s32 $0xFFFFFFE0  }
0x14: {  	v3 =	vld [tilespmem:$0x0];
	_ =	sdelay $0x4  }
0x15: {  	v4 =	vshll.u32 v3, $0x3  }
0x16: {  	v3 =	vand.u32 $0x7, v3;
	v4 =	vand.u32 $0xFFFFFFC0, v4  }
0x17: {  	v3 =	vor.u32 v3, v4  }
0x18: {  	v4 =	vperm.xlane v3, v0;
	_ =	sdelay $0x1  }
0x19: {  	v4 =	vadd.s32 v1, v4;
	_ =	sdelay $0x4  }
0x1a: {  	[tilespmem:s11], [sflag:$0x1] =	stream.indirect_vreg.gather [hbm4b:s3+s2], $0x80, v4, vm0, $0xb8;
	[tilespmem:$0x8080] =	vst v63  }
0x1b: {  	v3 =	vperm.xlane v3, v2  }
0x1c: {  	[tilespmem:s12], [sflag:$0x1] =	stream.indirect_vreg.gather [hbm4b:s5+s2], $0x80, v4, vm0, $0xb8;
	[tilespmem:$0x8080] =	vst v63  }
0x1d: {  	v3 =	vadd.s32 v1, v3  }
0x1e: {  	[tilespmem:s13], [sflag:$0x1] =	stream.indirect_vreg.gather [hbm4b:s6+s2], $0x80, v4, vm0, $0xb8;
	[tilespmem:$0x8080] =	vst v63  }
0x1f: {  	_ = 	snop  }
0x20: {  	[tilespmem:s14], [sflag:$0x1] =	stream.indirect_vreg.gather [hbm4b:s7+s2], $0x80, v4, vm0, $0xb8;
	[tilespmem:$0x8080] =	vst v63  }
0x21: {  	_ = 	snop  }
0x22: {  	[tilespmem:s15], [sflag:$0x1] =	stream.indirect_vreg.gather [hbm4b:s3+s2], $0x80, v3, vm0, $0xb8;
	[tilespmem:$0x8080] =	vst v63  }
0x23: {  	_ = 	snop  }
0x24: {  	[tilespmem:s16], [sflag:$0x1] =	stream.indirect_vreg.gather [hbm4b:s5+s2], $0x80, v3, vm0, $0xb8;
	[tilespmem:$0x8080] =	vst v63  }
0x25: {  	_ = 	snop  }
0x26: {  	[tilespmem:s17], [sflag:$0x1] =	stream.indirect_vreg.gather [hbm4b:s6+s2], $0x80, v3, vm0, $0xb8;
	[tilespmem:$0x8080] =	vst v63  }
0x27: {  	_ = 	snop  }
0x28: {  	[tilespmem:s18], [sflag:$0x1] =	stream.indirect_vreg.gather [hbm4b:s7+s2], $0x80, v3, vm0, $0xb8;
	[tilespmem:$0x8080] =	vst v63  }
0x29: {  	v3 =	vld [tilespmem:$0x10];
	_ =	sdelay $0x4  }
0x2a: {  	v63 =	vshll.u32 v3, $0x3  }
0x2b: {  	v3 =	vand.u32 $0x7, v3;
	v4 =	vand.u32 $0xFFFFFFC0, v63  }
0x2c: {  	v3 =	vor.u32 v3, v4  }
0x2d: {  	v4 =	vperm.xlane v3, v0;
	_ =	sdelay $0x1  }
0x2e: {  	v4 =	vadd.s32 v1, v4;
	_ =	sdelay $0x4  }
0x2f: {  	[tilespmem:s19], [sflag:$0x1] =	stream.indirect_vreg.gather [hbm4b:s3+s2], $0x80, v4, vm0, $0xb8;
	[tilespmem:$0x8080] =	vst v63  }
0x30: {  	v3 =	vperm.xlane v3, v2  }
0x31: {  	[tilespmem:s20], [sflag:$0x1] =	stream.indirect_vreg.gather [hbm4b:s5+s2], $0x80, v4, vm0, $0xb8;
	[tilespmem:$0x8080] =	vst v63  }
0x32: {  	v3 =	vadd.s32 v1, v3  }
0x33: {  	[tilespmem:s21], [sflag:$0x1] =	stream.indirect_vreg.gather [hbm4b:s6+s2], $0x80, v4, vm0, $0xb8;
	[tilespmem:$0x8080] =	vst v63  }
0x34: {  	_ = 	snop  }
0x35: {  	[tilespmem:s22], [sflag:$0x1] =	stream.indirect_vreg.gather [hbm4b:s7+s2], $0x80, v4, vm0, $0xb8;
	[tilespmem:$0x8080] =	vst v63  }
0x36: {  	_ = 	snop  }
0x37: {  	[tilespmem:s23], [sflag:$0x1] =	stream.indirect_vreg.gather [hbm4b:s3+s2], $0x80, v3, vm0, $0xb8;
	[tilespmem:$0x8080] =	vst v63  }
0x38: {  	_ = 	snop  }
0x39: {  	[tilespmem:s24], [sflag:$0x1] =	stream.indirect_vreg.gather [hbm4b:s5+s2], $0x80, v3, vm0, $0xb8;
	[tilespmem:$0x8080] =	vst v63  }
0x3a: {  	_ = 	snop  }
0x3b: {  	[tilespmem:s25], [sflag:$0x1] =	stream.indirect_vreg.gather [hbm4b:s6+s2], $0x80, v3, vm0, $0xb8;
	[tilespmem:$0x8080] =	vst v63  }
0x3c: {  	_ = 	snop  }
0x3d: {  	[tilespmem:s26], [sflag:$0x1] =	stream.indirect_vreg.gather [hbm4b:s7+s2], $0x80, v3, vm0, $0xb8;
	[tilespmem:$0x8080] =	vst v63  }
0x3e: {  	_ =	swait.ge [sflag:s28], $0x8000  }
0x3f: {  	p0 =	sne.s32 s9, $0x1;
	[sflag:s28] =	ssyncset.done $0x0  }
.Ltmp0:
0x40: {  	[sflag:s28] =	ssyncadd.s32 $0xFFFF8000;
	(pc) =	sbr.rel @p0 .LBB2_1-.Ltmp0, $4  }
0x41: {  	[hbm4b:s8+s2] =	stream.linear.scatter [tilespmem:s11], [sflag:$0x2], $0x8000, $0x38;
	[tilespmem:$0x8080] =	vst v63  }
0x42: {  	_ =	swait.ge [sflag:s10], $0x8000  }
0x43: {  	[sflag:s10] =	ssyncset.done $0x0  }
0x44: {  	s9 =	sadd.s32 $0xFFFFFFFF, s9;
	[sflag:s10] =	ssyncadd.s32 $0xFFFF8000  }
0x45: {  	_ =	sfence.sel $0x180000  }
0x46: {  	[bflag:$0x0] =	sbarrier.arrive $0xFFFF  }
0x47: {  	p0 =	sne.s32 s1, $0x0;
	_ =	strace $0x9000004A  }
0x48: {  	s0 =	sadd.s32 @!p0 $0x100000, s0;
	[bflag:$0x2] =	sbarrier.arrive $0xFFFF  }
0x49: {  	[sflag:s0] =	ssyncadd.tile.s32 @!p0 $0x1;
	_ =	shalt  }
.Lfunc_end2:
_tile_overlayer_lowered:
.L_overlay_start_2:
0x4a: {  	(tag) =	ssettag $0x2  }
0x4b: {  	s0 =	rddreg [dreg:$0x0];
	s2 =	stileid.u32  }
0x4c: {  	s1 =	rddreg [dreg:$0x1];
	p0 =	sne.s32 s2, $0x0  }
0x4d: {  	s3 =	rddreg [dreg:$0x2];
	[bflag:$0x3] =	sbarrier.arrive $0xFFFF;
	s2 =	simm.s32 @!p0 $0x1C02  }
0x4e: {  	[timem:s3], [sflag:s2] =	dma.local @!p0 [hbm:s0], s1  }
0x4f: {  	s0 =	simm.s32 @!p0 $0x2  }
0x50: {  	_ =	swait.ge @!p0 [sflag:s0], s1  }
0x51: {  	s1 =	ssub.s32 @!p0 $0x0, s1;
	[sflag:s0] =	ssyncset.done @!p0 $0x0  }
0x52: {  	[sflag:s0] =	ssyncadd.s32 @!p0 s1  }
0x53: {  	[bflag:$0x3] =	sbarrier.arrive $0xFFFF  }
0x54: {  	_ =	shalt  }

// kernel: kernel.7.cloned.1.call-start
scs
__scs_entry_jumppad:
0x0: {  	(pc) =	sbr.rel $0x88, $3  }
0x1: {  	(tag) =	ssettag $0x0;
	lr =	simm.s32 $0x1  }
0x2: {  	[smem:$0x3F99] =	sst lr;
	_ =	strace $0xD0000000  }
0x3: {  	_ = 	snop  }
0x4: {  	_ = 	snop  }
0x5: {  	_ = 	snop  }
0x6: {  	_ = 	snop  }
0x7: {  	_ = 	snop  }
__scs_overlays_trampoline_lowered:
0x8: {  	[smem:$0x3FA8] =	sst s0  }
0x9: {  	[smem:$0x3FA9] =	sst s1  }
0xa: {  	[smem:$0x3FAA] =	sst s2  }
0xb: {  	[smem:$0x3FAB] =	sst s3  }
0xc: {  	[smem:$0x3FAC] =	sst s4  }
0xd: {  	[smem:$0x3FAD] =	sst s5  }
0xe: {  	[smem:$0x3FAE] =	sst s6  }
0xf: {  	[smem:$0x3FAF] =	sst s7  }
0x10: {  	[smem:$0x3FB0] =	sst s8  }
0x11: {  	[smem:$0x3FB1] =	sst s9;
	s0 =	simm.s32 @!p0 $0x0  }
0x12: {  	s1 =	sld [smem:$0x3F97];
	s0 =	simm.s32 @p0 $0x1  }
0x13: {  	[smem:$0x3FB2] =	sst s0;
	s0 =	simm.s32 @!p1 $0x0  }
0x14: {  	s2 =	sld [smem:$0x3F96];
	s0 =	simm.s32 @p1 $0x1  }
0x15: {  	[smem:$0x3FB3] =	sst s0;
	s0 =	simm.s32 @!p2 $0x0  }
0x16: {  	s3 =	sld [smem:$0x3FDB];
	s0 =	simm.s32 @p2 $0x1  }
0x17: {  	s4 =	simm.s32 $0x1BF5;
	[smem:$0x3FB5] =	sst s0  }
0x18: {  	s0 =	sld [smem:$0x3F98];
	_ =	swait.ge [sflag:s4], $0x0  }
0x19: {  	s7 =	sld [smem:$0x3F99]  }
0x1a: {  	s8 =	sadd.s32 $0xFFFFE003, lr  }
0x1b: {  	s9 =	sadd.s32 $0xFFFFFEF7, lr;
	s5 =	simm.s32 $0xFFFFFFFF;
	p2 =	slt.u32 s8, $0xFFFFF086  }
0x1c: {  	p1 =	slt.u32 s9, $0xF7A;
	s5 =	simm.s32 @!p2 $0x0  }
0x1d: {  	s5 =	simm.s32 @p1 $0x1;
	p0 =	seq.s32 s7, s2  }
0x1e: {  	s7 =	smul.u32 @!p0 $0xF7A, s2;
	p2 =	seq.s32 @!p0 s5, $0x0  }
0x1f: {  	s9 =	smul.u32 $0xF7A, s1;
	s8 =	simm.s32 @!p0 $0x1BF5;
	p2 =	por !p2, p0  }
0x20: {  	[sflag:s8] =	ssyncset.s32 @!p0 $0xFFFFF086;
	s6 =	sadd.s32 @!p0 s3, s7;
	s7 =	simm.s32 @!p0 $0x108  }
0x21: {  	s3 =	sadd.s32 s3, s9;
	s6 =	sadd.s32 @!p0 $0x88, s6;
	s7 =	simm.s32 @p2 $0x1082  }
0x22: {  	[simem:s7], [sflag:s8] =	dma.local @!p0 [hbm:s6], $0xF7A  }
0x23: {  	s9 =	sor.u32 $0xD0000000, s2;
	s6 =	simm.s32 $0x108;
	_ =	swait.ge @!p0 [sflag:s8], $0x0  }
0x24: {  	s3 =	sadd.s32 $0x88, s3;
	s6 =	simm.s32 @!p1 $0x1082;
	[sflag:s4] =	ssyncset.s32 $0xFFFFF086  }
0x25: {  	[simem:s6], [sflag:s4] =	dma.local [hbm:s3], $0xF7A  }
0x26: {  	[smem:$0x3F99] =	sst s1;
	(tag) =	ssettag s2;
	_ =	strace s9  }
0x27: {  	s1 =	sld [smem:$0x3FA9]  }
0x28: {  	s2 =	sld [smem:$0x3FAA]  }
0x29: {  	s4 =	sld [smem:$0x3FAC]  }
0x2a: {  	p0 =	seq.s32 s5, $0x0;
	s5 =	sld [smem:$0x3FAD]  }
0x2b: {  	s6 =	sld [smem:$0x3FAE]  }
0x2c: {  	s7 =	sld [smem:$0x3FAF]  }
0x2d: {  	s3 =	simm.s32 $0x108;
	s8 =	sld [smem:$0x3FB0]  }
0x2e: {  	s3 =	simm.s32 @!p0 $0x1082;
	s9 =	sld [smem:$0x3FB1]  }
0x2f: {  	lr =	sadd.s32 s0, s3;
	s0 =	sld [smem:$0x3FA8]  }
0x30: {  	s3 =	sld [smem:$0x3FAB]  }
0x31: {  	[smem:$0x3FB4] =	sst s10  }
0x32: {  	s10 =	sld [smem:$0x3FB2];
	_ =	sdelay $0x3  }
0x33: {  	p0 =	seq.s32 s10, $0x1;
	s10 =	sld [smem:$0x3FB4];
	_ =	sdelay $0x3  }
0x34: {  	[smem:$0x3FB4] =	sst s10  }
0x35: {  	s10 =	sld [smem:$0x3FB3];
	_ =	sdelay $0x3  }
0x36: {  	p1 =	seq.s32 s10, $0x1;
	s10 =	sld [smem:$0x3FB4];
	_ =	sdelay $0x3  }
0x37: {  	[smem:$0x3FB4] =	sst s10  }
0x38: {  	s10 =	sld [smem:$0x3FB5]  }
0x39: {  	_ = 	snop;
	(pc) =	sbr.ind lr, $3  }
0x3a: {  	_ = 	snop  }
0x3b: {  	_ = 	snop  }
0x3c: {  	p2 =	seq.s32 s10, $0x1;
	s10 =	sld [smem:$0x3FB4]  }
0x3d: {  	_ =	shalt  }
0x3e: {  	_ =	shalt  }
0x3f: {  	_ =	shalt  }
0x40: {  	_ =	shalt  }
0x41: {  	_ =	shalt  }
0x42: {  	_ =	shalt  }
0x43: {  	_ =	shalt  }
0x44: {  	_ =	shalt  }
0x45: {  	_ =	shalt  }
0x46: {  	_ =	shalt  }
0x47: {  	_ =	shalt  }
0x48: {  	_ =	shalt  }
0x49: {  	_ =	shalt  }
0x4a: {  	_ =	shalt  }
0x4b: {  	_ =	shalt  }
0x4c: {  	_ =	shalt  }
0x4d: {  	_ =	shalt  }
0x4e: {  	_ =	shalt  }
0x4f: {  	_ =	shalt  }
0x50: {  	_ =	shalt  }
0x51: {  	_ =	shalt  }
0x52: {  	_ =	shalt  }
0x53: {  	_ =	shalt  }
0x54: {  	_ =	shalt  }
0x55: {  	_ =	shalt  }
0x56: {  	_ =	shalt  }
0x57: {  	_ =	shalt  }
0x58: {  	_ =	shalt  }
0x59: {  	_ =	shalt  }
0x5a: {  	_ =	shalt  }
0x5b: {  	_ =	shalt  }
0x5c: {  	_ =	shalt  }
0x5d: {  	_ =	shalt  }
0x5e: {  	_ =	shalt  }
0x5f: {  	_ =	shalt  }
0x60: {  	_ =	shalt  }
0x61: {  	_ =	shalt  }
0x62: {  	_ =	shalt  }
0x63: {  	_ =	shalt  }
0x64: {  	_ =	shalt  }
0x65: {  	_ =	shalt  }
0x66: {  	_ =	shalt  }
0x67: {  	_ =	shalt  }
0x68: {  	_ =	shalt  }
0x69: {  	_ =	shalt  }
0x6a: {  	_ =	shalt  }
0x6b: {  	_ =	shalt  }
0x6c: {  	_ =	shalt  }
0x6d: {  	_ =	shalt  }
0x6e: {  	_ =	shalt  }
0x6f: {  	_ =	shalt  }
0x70: {  	_ =	shalt  }
0x71: {  	_ =	shalt  }
0x72: {  	_ =	shalt  }
0x73: {  	_ =	shalt  }
0x74: {  	_ =	shalt  }
0x75: {  	_ =	shalt  }
0x76: {  	_ =	shalt  }
0x77: {  	_ =	shalt  }
0x78: {  	_ =	shalt  }
0x79: {  	_ =	shalt  }
0x7a: {  	_ =	shalt  }
0x7b: {  	_ =	shalt  }
0x7c: {  	_ =	shalt  }
0x7d: {  	_ =	shalt  }
0x7e: {  	_ =	shalt  }
0x7f: {  	_ =	shalt  }
0x80: {  	_ =	shalt  }
0x81: {  	_ =	shalt  }
0x82: {  	_ =	shalt  }
0x83: {  	_ =	shalt  }
0x84: {  	_ =	shalt  }
0x85: {  	_ =	shalt  }
0x86: {  	_ =	shalt  }
0x87: {  	_ =	shalt  }
.Lfunc_end0:
.L_simem_size_0:
called_computation_lowered:
.L_overlay_start_0:
0x88: {  	s2 =	sld [smem:$0x3FD9]  }
0x89: {  	s3 =	sld [smem:$0x3FFE];
	_ =	sdelay $0x1  }
0x8a: {  	s1 =	srdreg.scid  }
0x8b: {  	s0 =	sand.u32 $0x1, s1  }
0x8c: {  	s17 =	sshll.u32 s0, $0xA;
	s2 =	sadd.s32 s3, s2  }
0x8d: {  	s2 =	sadd.s32 s2, s17  }
0x8e: {  	[smem:$0x3FC0] =	sst s2  }
0x8f: {  	_ = 	snop  }
0x90: {  	s2 =	sld [smem:$0x3FD0];
	(tm) =	ssettm $0x1  }
0x91: {  	s18 =	sld [smem:$0x3FFB];
	_ =	sdelay $0x3  }
0x92: {  	_ =	strace s18  }
0x93: {  	s3 =	sld [smem:$0x3FFC];
	_ =	sdelay $0x3  }
0x94: {  	_ =	strace s3  }
0x95: {  	s3 =	sld [smem:$0x3FFD];
	_ =	sdelay $0x3  }
0x96: {  	_ =	strace s3  }
0x97: {  	_ =	strace $0x8FFFFFFF  }
0x98: {  	s19 =	sld [smem:$0x3FDB];
	_ =	sdelay $0x1  }
0x99: {  	s4 =	simm.s32 $_scs_section_size  }
0x9a: {  	s5 =	simm.s32 $_size__tile_overlayer_lowered;
	s6 =	simm.s32 $_tile_overlayer_lowered  }
0x9b: {  	s22 =	simm.s32 $0x1BFF;
	s21 =	sshll.u32 s6, $0x1;
	s3 =	sadd.s32 s4, s19  }
0x9c: {  	s7 =	simm.s32 $0x0;
	s20 =	sshll.u32 s5, $0x1;
	s5 =	sadd.s32 s21, s3  }
0x9d: {  	[timem:s7], [sflag:s22] =	dma.local [hbm:s5], s20  }
0x9e: {  	_ =	swait.ge [sflag:s22], s20  }
0x9f: {  	s4 =	ssub.s32 $0x0, s20;
	[sflag:s22] =	ssyncset.done $0x0  }
0xa0: {  	[sflag:s22] =	ssyncadd.s32 s4;
	_ =	sdelay $0x1  }
0xa1: {  	s23 =	simm.s32 $0x1B8B  }
0xa2: {  	_ =	swait.ge [sflag:s23], $0x1  }
0xa3: {  	[sflag:s23] =	ssyncset.done $0x0  }
0xa4: {  	s25 =	simm.s32 $0x1B8E;
	s24 =	sld [smem:$0x3FFE];
	[sflag:s23] =	ssyncadd.s32 $0xFFFFFFFF  }
0xa5: {  	s26 =	simm.s32 $execute0_lowered;
	[smem:$0x3FD2] =	sst s25  }
0xa6: {  	s5 =	sshll.u32 s26, $0x1;
	_ =	strace $0x80000046;
	[dreg:$0x1] =	wrdreg $0xFFFFFFFF  }
0xa7: {  	s28 =	simm.s32 $_size_execute0_lowered;
	s3 =	sadd.s32 s3, s5;
	[dreg:$0x0] =	wrdreg $0x0  }
0xa8: {  	s5 =	sshll.u32 s28, $0x1;
	[dreg:$0x2] =	wrdreg s3  }
0xa9: {  	[dreg:$0x3] =	wrdreg s5  }
0xaa: {  	[dreg:$0x4] =	wrdreg $0xC0  }
0xab: {  	_ =	task [dreg:s7], $0x5FFFF  }
0xac: {  	[dreg:$0x1] =	wrdreg $0xFFFFFFFF  }
0xad: {  	[dreg:$0x0] =	wrdreg $0x60  }
0xae: {  	[dreg:$0x2] =	wrdreg s24  }
0xaf: {  	[dreg:$0x3] =	wrdreg s2  }
0xb0: {  	[dreg:$0x4] =	wrdreg $0x9  }
0xb1: {  	_ =	task.clear_ibuf [dreg:s7], $0x5FFFF;
	_ =	strace $0x90000046  }
0xb2: {  	s29 =	simm.s32 $0x9;
	_ =	strace $0x80000048  }
0xb3: {  	_ =	swait.ge [sflag:s29], $0x1  }
0xb4: {  	[sflag:s29] =	ssyncadd.s32 $0xFFFFFFFF  }
0xb5: {  	_ =	strace $0x90000048  }
0xb6: {  	_ =	sfence  }
0xb7: {  	s30 =	sld [smem:$0x0];
	_ =	sdelay $0x2  }
0xb8: {  	s31 =	sshll.u32 s1, $0xD;
	s1 =	sshrl.u32 s1, $0x2  }
0xb9: {  	s3 =	sand.u32 $0x4000, s31;
	s1 =	sadd.s32 s1, s30  }
0xba: {  	s0 =	sor.u32 s3, s0;
	s1 =	sshll.u32 s1, $0x11  }
0xbb: {  	s0 =	sor.u32 s1, s0  }
0xbc: {  	s0 =	sadd.s32 $0x8F2B, s0  }
0xbd: {  	[sflag:s0] =	ssyncadd.remote.s32 $0x1  }
0xbe: {  	_ =	sfence.sel $0xFFFF  }
0xbf: {  	[dreg:$0x0] =	wrdreg $0xFFFFFFFF;
	(pc) =	sbr.abs _section_cstart, $3  }
0xc0: {  	[dreg:$0x1] =	wrdreg $0xFFFFFFFF  }
0xc1: {  	_ =	task.clear_ibuf [dreg:s7], $0x2FFFF;
	_ =	strace $0x9FFFFFFF  }
0xc2: {  	(tm) =	ssettm $0x7FFFFFFF  }
0xc3: {  	_ =	shalt  }
tec
execute0_lowered:
.L_overlay_start_1:
0x0: {  	(tag) =	ssettag $0x1  }
0x1: {  	s5 =	rddreg [dreg:$0x0]  }
0x2: {  	s1 =	srdreg.scid;
	s0 =	stileid.u32  }
0x3: {  	s4 =	rddreg [dreg:$0x1];
	s2 =	simm.s32 $0x0;
	s10 =	simm.s32 $0x880  }
0x4: {  	s11 =	simm.s32 $0x1080;
	s12 =	simm.s32 $0x1880;
	s13 =	simm.s32 $0x2080  }
0x5: {  	s14 =	simm.s32 $0x2880;
	s15 =	simm.s32 $0x3080;
	s16 =	simm.s32 $0x3880  }
0x6: {  	s17 =	simm.s32 $0x4080;
	s18 =	simm.s32 $0x4880;
	s19 =	simm.s32 $0x5080  }
0x7: {  	s20 =	simm.s32 $0x5880;
	s3 =	sand.u32 $0x1, s1;
	s6 =	sshll.u32 s0, $0x1  }
0x8: {  	s21 =	simm.s32 $0x1;
	s1 =	rddreg [dreg:$0x2];
	s6 =	sor.u32 s3, s6  }
0x9: {  	[smem:$0x7FF] =	sst s2;
	s8 =	ssub.s32 $0x2, s3;
	s7 =	smul.u32 $0xC00, s6  }
0xa: {  	_ =	strace $0x80000047;
	s9 =	sshrl.u32 s8, $0x1;
	s6 =	smul.u32 $0x6, s6  }
0xb: {  	v2 =	vlaneseq.u32;
	s3 =	sadd.s32 $0x1400, s5;
	s8 =	ssub.s32 s8, s9;
	s9 =	simm.s32 $0x80  }
0xc: {  	vm0 =	vmmov $0xffff;
	v1 =	vshrl.u32 v2, $0x3;
	s7 =	sadd.s32 s7, s5;
	s4 =	sadd.s32 s4, s6;
	s5 =	sadd.s32 $0x1500, s5  }
0xd: {  	v0 =	vand.u32 $0x7, v2;
	v2 =	vor.u32 $0x8, v2;
	v1 =	vmul.u32 $0x8, v1;
	s6 =	sadd.s32 $0x9400, s7;
	s7 =	smax.u32 s8, $0x1;
	s8 =	simm.s32 $0x2  }
.LBB2_1:
0xe: {  	[tilespmem:s2], [sflag:$0x2] =	stream.linear.gather [hbm4b:s4+s2], $0x30, $0x38;
	[tilespmem:$0x6080] =	vst v63  }
0xf: {  	_ =	swait.ge [sflag:s8], $0x30  }
0x10: {  	[sflag:s8] =	ssyncset.done $0x0  }
0x11: {  	[sflag:s8] =	ssyncadd.s32 $0xFFFFFFD0  }
0x12: {  	v3 =	vld [tilespmem:$0x0];
	_ =	sdelay $0x4  }
0x13: {  	v4 =	vshll.u32 v3, $0x2  }
0x14: {  	v3 =	vand.u32 $0x7, v3;
	v4 =	vand.u32 $0xFFFFFFE0, v4  }
0x15: {  	v3 =	vor.u32 v3, v4  }
0x16: {  	v4 =	vperm.xlane v3, v0;
	_ =	sdelay $0x1  }
0x17: {  	v4 =	vadd.s32 v1, v4;
	_ =	sdelay $0x1  }
0x18: {  	v3 =	vperm.xlane v3, v2;
	_ =	sdelay $0x1  }
0x19: {  	v3 =	vadd.s32 v1, v3  }
0x1a: {  	[tilespmem:s9], [sflag:$0x1] =	stream.indirect_vreg.gather [hbm4b:s3+s2], $0x80, v4, vm0, $0xb8;
	[tilespmem:$0x6080] =	vst v63  }
0x1b: {  	_ = 	snop  }
0x1c: {  	[tilespmem:s10], [sflag:$0x1] =	stream.indirect_vreg.gather [hbm4b:s5+s2], $0x80, v4, vm0, $0xb8;
	[tilespmem:$0x6080] =	vst v63  }
0x1d: {  	_ = 	snop  }
0x1e: {  	[tilespmem:s11], [sflag:$0x1] =	stream.indirect_vreg.gather [hbm4b:s3+s2], $0x80, v3, vm0, $0xb8;
	[tilespmem:$0x6080] =	vst v63  }
0x1f: {  	_ = 	snop  }
0x20: {  	[tilespmem:s12], [sflag:$0x1] =	stream.indirect_vreg.gather [hbm4b:s5+s2], $0x80, v3, vm0, $0xb8;
	[tilespmem:$0x6080] =	vst v63  }
0x21: {  	v3 =	vld [tilespmem:$0x10];
	_ =	sdelay $0x4  }
0x22: {  	v62 =	vshll.u32 v3, $0x2  }
0x23: {  	v3 =	vand.u32 $0x7, v3;
	v4 =	vand.u32 $0xFFFFFFE0, v62  }
0x24: {  	v3 =	vor.u32 v3, v4  }
0x25: {  	v4 =	vperm.xlane v3, v0;
	_ =	sdelay $0x1  }
0x26: {  	v4 =	vadd.s32 v1, v4;
	_ =	sdelay $0x1  }
0x27: {  	v3 =	vperm.xlane v3, v2;
	_ =	sdelay $0x1  }
0x28: {  	v3 =	vadd.s32 v1, v3  }
0x29: {  	[tilespmem:s13], [sflag:$0x1] =	stream.indirect_vreg.gather [hbm4b:s3+s2], $0x80, v4, vm0, $0xb8;
	[tilespmem:$0x6080] =	vst v63  }
0x2a: {  	_ = 	snop  }
0x2b: {  	[tilespmem:s14], [sflag:$0x1] =	stream.indirect_vreg.gather [hbm4b:s5+s2], $0x80, v4, vm0, $0xb8;
	[tilespmem:$0x6080] =	vst v63  }
0x2c: {  	_ = 	snop  }
0x2d: {  	[tilespmem:s15], [sflag:$0x1] =	stream.indirect_vreg.gather [hbm4b:s3+s2], $0x80, v3, vm0, $0xb8;
	[tilespmem:$0x6080] =	vst v63  }
0x2e: {  	_ = 	snop  }
0x2f: {  	[tilespmem:s16], [sflag:$0x1] =	stream.indirect_vreg.gather [hbm4b:s5+s2], $0x80, v3, vm0, $0xb8;
	[tilespmem:$0x6080] =	vst v63  }
0x30: {  	v3 =	vld [tilespmem:$0x20];
	_ =	sdelay $0x4  }
0x31: {  	v63 =	vshll.u32 v3, $0x2  }
0x32: {  	v3 =	vand.u32 $0x7, v3;
	v4 =	vand.u32 $0xFFFFFFE0, v63  }
0x33: {  	v3 =	vor.u32 v3, v4  }
0x34: {  	v4 =	vperm.xlane v3, v0;
	_ =	sdelay $0x1  }
0x35: {  	v4 =	vadd.s32 v1, v4;
	_ =	sdelay $0x1  }
0x36: {  	v3 =	vperm.xlane v3, v2;
	_ =	sdelay $0x1  }
0x37: {  	v3 =	vadd.s32 v1, v3  }
0x38: {  	[tilespmem:s17], [sflag:$0x1] =	stream.indirect_vreg.gather [hbm4b:s3+s2], $0x80, v4, vm0, $0xb8;
	[tilespmem:$0x6080] =	vst v63  }
0x39: {  	_ = 	snop  }
0x3a: {  	[tilespmem:s18], [sflag:$0x1] =	stream.indirect_vreg.gather [hbm4b:s5+s2], $0x80, v4, vm0, $0xb8;
	[tilespmem:$0x6080] =	vst v63  }
0x3b: {  	_ = 	snop  }
0x3c: {  	[tilespmem:s19], [sflag:$0x1] =	stream.indirect_vreg.gather [hbm4b:s3+s2], $0x80, v3, vm0, $0xb8;
	[tilespmem:$0x6080] =	vst v63  }
0x3d: {  	_ = 	snop  }
0x3e: {  	[tilespmem:s20], [sflag:$0x1] =	stream.indirect_vreg.gather [hbm4b:s5+s2], $0x80, v3, vm0, $0xb8;
	[tilespmem:$0x6080] =	vst v63  }
0x3f: {  	_ =	swait.ge [sflag:s21], $0x6000  }
0x40: {  	p0 =	sne.s32 s7, $0x1;
	[sflag:s21] =	ssyncset.done $0x0  }
.Ltmp0:
0x41: {  	[sflag:s21] =	ssyncadd.s32 $0xFFFFA000;
	(pc) =	sbr.rel @p0 .LBB2_1-.Ltmp0, $4  }
0x42: {  	[hbm4b:s6+s2] =	stream.linear.scatter [tilespmem:s9], [sflag:$0x2], $0x6000, $0x38;
	[tilespmem:$0x6080] =	vst v63  }
0x43: {  	_ =	swait.ge [sflag:s8], $0x6000  }
0x44: {  	[sflag:s8] =	ssyncset.done $0x0  }
0x45: {  	s7 =	sadd.s32 $0xFFFFFFFF, s7;
	[sflag:s8] =	ssyncadd.s32 $0xFFFFA000  }
0x46: {  	_ =	sfence.sel $0x180000  }
0x47: {  	[bflag:$0x0] =	sbarrier.arrive $0xFFFF  }
0x48: {  	p0 =	sne.s32 s0, $0x0;
	_ =	strace $0x90000047  }
0x49: {  	s0 =	sadd.s32 @!p0 $0x100000, s1;
	[bflag:$0x2] =	sbarrier.arrive $0xFFFF  }
0x4a: {  	[sflag:s0] =	ssyncadd.tile.s32 @!p0 $0x1;
	_ =	shalt  }
.Lfunc_end2:
_tile_overlayer_lowered:
.L_overlay_start_2:
0x4b: {  	(tag) =	ssettag $0x2  }
0x4c: {  	s0 =	rddreg [dreg:$0x0];
	s2 =	stileid.u32  }
0x4d: {  	s1 =	rddreg [dreg:$0x1];
	p0 =	sne.s32 s2, $0x0  }
0x4e: {  	s3 =	rddreg [dreg:$0x2];
	[bflag:$0x3] =	sbarrier.arrive $0xFFFF;
	s2 =	simm.s32 @!p0 $0x1C02  }
0x4f: {  	[timem:s3], [sflag:s2] =	dma.local @!p0 [hbm:s0], s1  }
0x50: {  	s0 =	simm.s32 @!p0 $0x2  }
0x51: {  	_ =	swait.ge @!p0 [sflag:s0], s1  }
0x52: {  	s1 =	ssub.s32 @!p0 $0x0, s1;
	[sflag:s0] =	ssyncset.done @!p0 $0x0  }
0x53: {  	[sflag:s0] =	ssyncadd.s32 @!p0 s1  }
0x54: {  	[bflag:$0x3] =	sbarrier.arrive $0xFFFF  }
0x55: {  	_ =	shalt  }

</sc_bundles>
